<compile_context>
chip_gen: v7x
topology: tpu7x:2x2x1
jax: 0.10.2.dev20260603
libtpu: 0.0.44.dev20260713+nightly
codegen_flags: <defaults>
</compile_context>

<pallas_src>
import functools
import numpy as np
import jax
import jax.numpy as jnp
from jax import lax
from jax.experimental import pallas as pl
from jax.experimental.pallas import tpu as pltpu
from jax.experimental.pallas import tpu_sc as plsc

_D = 64
_MAX_LEN = 512
_NUM_CORES = 2
_NUM_SUBCORES = 16
_NW = _NUM_CORES * _NUM_SUBCORES
_LANES = 16


def _make_pe2(max_len, d_model):
    position = np.arange(max_len, dtype=np.float32)[:, None]
    div_term = np.exp(
        np.arange(0, d_model, 2, dtype=np.float32) * -(np.log(10000.0) / d_model)
    )
    pe = np.zeros((max_len, d_model), dtype=np.float32)
    pe[:, 0::2] = np.sin(position * div_term)
    pe[:, 1::2] = np.cos(position * div_term)
    return pe * 2.0


@functools.partial(jax.jit, static_argnames=("batch", "seq_len"))
def _embed(seq, pe2, table, batch, seq_len):
    chunks = []
    l0 = 0
    while l0 < seq_len:
        n = min(128, seq_len - l0)
        chunks.append((l0, n))
        l0 += n
    batches_per_w = batch // _NW

    mesh = plsc.VectorSubcoreMesh(
        core_axis_name="c", subcore_axis_name="s",
        num_cores=_NUM_CORES, num_subcores=_NUM_SUBCORES,
    )

    scratch = [pltpu.VMEM((seq_len, _D), jnp.float32)]
    for _, n in chunks:
        scratch.append(pltpu.VMEM((n,), jnp.int32))
        scratch.append(pltpu.VMEM((n, _D), jnp.float32))
    scratch.append(pltpu.SemaphoreType.DMA)

    @functools.partial(
        pl.kernel,
        out_type=jax.ShapeDtypeStruct((batch, seq_len, _D), jnp.float32),
        mesh=mesh,
        scratch_types=scratch,
        compiler_params=pltpu.CompilerParams(use_tc_tiling_on_sc=False,
                                             disable_bounds_checks=True),
    )
    def body(seq_hbm, pe2_hbm, table_hbm, out_hbm, pe2_v, *rest):
        bufs = []
        for i in range(len(chunks)):
            bufs.append((rest[2 * i], rest[2 * i + 1]))
        sem = rest[-1]
        wid = lax.axis_index("s") * _NUM_CORES + lax.axis_index("c")
        pltpu.sync_copy(pe2_hbm, pe2_v)

        def batch_body(bi, carry):
            gb = wid * batches_per_w + bi
            for (l0, n), (idx_v, row_v) in zip(chunks, bufs):
                pltpu.sync_copy(seq_hbm.at[gb, pl.ds(l0, n)], idx_v)
                pltpu.async_copy(table_hbm.at[idx_v], row_v, sem).wait()

                @plsc.parallel_loop(0, n, unroll=4)
                def row_body(r):
                    for j in range(_D // _LANES):
                        sl = pl.ds(j * _LANES, _LANES)
                        x = row_v[r, sl]
                        p = pe2_v[l0 + r, sl]
                        row_v[r, sl] = x + x + p
                pltpu.sync_copy(row_v, out_hbm.at[gb, pl.ds(l0, n)])
            return carry

        lax.fori_loop(0, batches_per_w, batch_body, 0)

    return body(seq, pe2, table)


def kernel(sequence, table):
    batch, seq_len = sequence.shape
    pe2 = jnp.asarray(_make_pe2(_MAX_LEN, _D)[:seq_len])
    return _embed(sequence.astype(jnp.int32), pe2, table, batch, seq_len)

# --- scband reference (transcript-rebuilt; emitter-appended) ---
"""Pipeline reference for scband-token-embedding-25537875542296 (READ-ONLY COPY).

The authoritative reference and input builder live on the scoring server;
editing this copy changes nothing except your own understanding.
"""

import jax, jax.numpy as jnp
import numpy as np

VOCAB_SIZE = 1000000
EMBED_SIZE = 64
MAX_LEN = 512
BATCH = 1024
SEQ_LEN = 200


def make_positional_embedding(max_len, d_model):
    # Standard sinusoidal positional embedding (BERT-style), non-learned.
    position = np.arange(max_len, dtype=np.float32)[:, None]
    div_term = np.exp(np.arange(0, d_model, 2, dtype=np.float32) * -(np.log(10000.0) / d_model))
    pe = np.zeros((max_len, d_model), dtype=np.float32)
    pe[:, 0::2] = np.sin(position * div_term)
    pe[:, 1::2] = np.cos(position * div_term)
    return jnp.asarray(pe, dtype=jnp.float32)


def setup_inputs(seed: int = 0) -> dict:
    key = jax.random.key(seed)
    k1, k2 = jax.random.split(key)
    sequence = jax.random.randint(k1, (BATCH, SEQ_LEN), 0, VOCAB_SIZE, dtype=jnp.int64 if jax.config.jax_enable_x64 else jnp.int32)
    # Learned content embedding table (RandomEmbedding ~ nn.Embedding init)
    table = jax.random.normal(k2, (VOCAB_SIZE, EMBED_SIZE), dtype=jnp.float32)
    return {"sequence": sequence, "table": table}


def reference(sequence, table):
    seq_len = sequence.shape[1]
    pe = make_positional_embedding(MAX_LEN, EMBED_SIZE)[:seq_len]  # [L, D]
    content = jnp.take(table, sequence, axis=0)  # [B, L, D] embedding gather
    x = content + pe[None, :, :]
    # Dropout in eval mode is identity, so dropout(x) + x == x + x
    return x + x

if __name__ == "__main__":
    import jax
    _d = setup_inputs()
    print(jax.jit(kernel)(*tuple(_d.values())))

</pallas_src>

<mosaic_0001>
#map = affine_map<(d0, d1) -> (0, 0)>
#map1 = affine_map<(d0, d1) -> (0, 0, 0)>
module attributes {stable_mosaic.version = 14 : i64} {
  func.func @body(%arg0: i32, %arg1: i32, %arg2: memref<1024x200xi32, #tpu.memory_space<hbm>>, %arg3: memref<200x64xf32, #tpu.memory_space<hbm>>, %arg4: memref<1000000x64xf32, #tpu.memory_space<hbm>>, %arg5: memref<1024x200x64xf32, #tpu.memory_space<hbm>>, %arg6: memref<200x64xf32, #tpu.memory_space<vmem>>, %arg7: memref<128xi32, #tpu.memory_space<vmem>>, %arg8: memref<128x64xf32, #tpu.memory_space<vmem>>, %arg9: memref<72xi32, #tpu.memory_space<vmem>>, %arg10: memref<72x64xf32, #tpu.memory_space<vmem>>, %arg11: memref<!tpu.dma_semaphore, #tpu.memory_space<semaphore_mem>>) attributes {dimension_semantics = [#tpu.dimension_semantics<core_parallel>, #tpu.dimension_semantics<subcore_parallel>], iteration_bounds = array<i64: 2, 16>, scalar_prefetch = 0 : i64, scratch_operands = 6 : i64, tpu.core_type = #tpu.core_type<sc_vector_subcore>, window_params = [{transform_indices = #map}, {transform_indices = #map}, {transform_indices = #map}, {transform_indices = #map1}]} {
    %mul3A = arith.constant 2 : i32
    %mul3A_0 = arith.muli %arg1, %mul3A : i32
    %add3A = arith.addi %mul3A_0, %arg0 : i32
    "tpu.region"() ({
      %run_scoped3A = tpu.sem_alloc : memref<!tpu.dma_semaphore, #tpu.memory_space<semaphore_mem>>
      tpu.enqueue_dma source(%arg3 : memref<200x64xf32, #tpu.memory_space<hbm>>) target(%arg6 : memref<200x64xf32, #tpu.memory_space<vmem>>) target_semaphore(%run_scoped3A : memref<!tpu.dma_semaphore, #tpu.memory_space<semaphore_mem>>)
      tpu.wait_dma2 semaphore(%run_scoped3A : memref<!tpu.dma_semaphore, #tpu.memory_space<semaphore_mem>>) src(%arg3 : memref<200x64xf32, #tpu.memory_space<hbm>>) dst(%arg6 : memref<200x64xf32, #tpu.memory_space<vmem>>)
      tpu.yield
    }) : () -> ()
    %scan3A = arith.constant 0 : i32
    %scan3A_1 = arith.constant 0 : i32
    %scan3A_2 = arith.constant 32 : i32
    %scan3A_3 = arith.addi %scan3A_1, %scan3A_2 : i32
    %scan3A_4 = arith.constant 1 : i32
    scf.for %scan3A_6 = %scan3A_1 to %scan3A_3 step %scan3A_4  : i32 {
      %mul3A_7 = arith.constant 32 : i32
      %mul3A_8 = arith.muli %add3A, %mul3A_7 : i32
      %add3A_9 = arith.addi %mul3A_8, %scan3A_6 : i32
      "tpu.region"() ({
        %run_scoped3A = tpu.sem_alloc : memref<!tpu.dma_semaphore, #tpu.memory_space<semaphore_mem>>
        %dma_start3A_25 = arith.constant 0 : i32
        %dma_start3A_26 = tpu.memref_slice %arg2[%add3A_9, %dma_start3A_25] : memref<1024x200xi32, #tpu.memory_space<hbm>> -> memref<1x128xi32, #tpu.memory_space<hbm>>
        %dma_start3A_27 = tpu.memref_squeeze %dma_start3A_26 : memref<1x128xi32, #tpu.memory_space<hbm>> -> memref<128xi32, #tpu.memory_space<hbm>>
        %dma_start3A_28 = arith.constant 0 : i32
        %dma_start3A_29 = tpu.memref_slice %arg2[%add3A_9, %dma_start3A_28] : memref<1024x200xi32, #tpu.memory_space<hbm>> -> memref<1x128xi32, #tpu.memory_space<hbm>>
        %dma_start3A_30 = tpu.memref_squeeze %dma_start3A_29 : memref<1x128xi32, #tpu.memory_space<hbm>> -> memref<128xi32, #tpu.memory_space<hbm>>
        tpu.enqueue_dma source(%dma_start3A_30 : memref<128xi32, #tpu.memory_space<hbm>>) target(%arg7 : memref<128xi32, #tpu.memory_space<vmem>>) target_semaphore(%run_scoped3A : memref<!tpu.dma_semaphore, #tpu.memory_space<semaphore_mem>>)
        %dma_wait3A_31 = arith.constant 0 : i32
        %dma_wait3A_32 = tpu.memref_slice %arg2[%add3A_9, %dma_wait3A_31] : memref<1024x200xi32, #tpu.memory_space<hbm>> -> memref<1x128xi32, #tpu.memory_space<hbm>>
        %dma_wait3A_33 = tpu.memref_squeeze %dma_wait3A_32 : memref<1x128xi32, #tpu.memory_space<hbm>> -> memref<128xi32, #tpu.memory_space<hbm>>
        %dma_wait3A_34 = arith.constant 0 : i32
        %dma_wait3A_35 = tpu.memref_slice %arg2[%add3A_9, %dma_wait3A_34] : memref<1024x200xi32, #tpu.memory_space<hbm>> -> memref<1x128xi32, #tpu.memory_space<hbm>>
        %dma_wait3A_36 = tpu.memref_squeeze %dma_wait3A_35 : memref<1x128xi32, #tpu.memory_space<hbm>> -> memref<128xi32, #tpu.memory_space<hbm>>
        tpu.wait_dma2 semaphore(%run_scoped3A : memref<!tpu.dma_semaphore, #tpu.memory_space<semaphore_mem>>) src(%dma_wait3A_36 : memref<128xi32, #tpu.memory_space<hbm>>) dst(%arg7 : memref<128xi32, #tpu.memory_space<vmem>>)
        tpu.yield
      }) : () -> ()
      %dma_start3A = arith.constant 0 : i32
      %dma_start3A_10 = arith.constant 0 : i32
      %dma_start3A_11 = tpu.memref_slice %arg4[%dma_start3A, %dma_start3A_10] : memref<1000000x64xf32, #tpu.memory_space<hbm>> -> memref<1000000x64xf32, #tpu.memory_space<hbm>>
      tpu.enqueue_indirect_dma source(%dma_start3A_11 : memref<1000000x64xf32, #tpu.memory_space<hbm>>) target(%arg8 : memref<128x64xf32, #tpu.memory_space<vmem>>) offsets(%arg7 : memref<128xi32, #tpu.memory_space<vmem>>) semaphore(%arg11 : memref<!tpu.dma_semaphore, #tpu.memory_space<semaphore_mem>>)
      %dma_wait3A = arith.constant 0 : i32
      %dma_wait3A_12 = arith.constant 0 : i32
      %dma_wait3A_13 = tpu.memref_slice %arg4[%dma_wait3A, %dma_wait3A_12] : memref<1000000x64xf32, #tpu.memory_space<hbm>> -> memref<1000000x64xf32, #tpu.memory_space<hbm>>
      tpu.wait_indirect_dma semaphore(%arg11 : memref<!tpu.dma_semaphore, #tpu.memory_space<semaphore_mem>>) src(%dma_wait3A_13 : memref<1000000x64xf32, #tpu.memory_space<hbm>>) dst(%arg8 : memref<128x64xf32, #tpu.memory_space<vmem>>)
      %parallel_loop3A = arith.constant 0 : i32
      %parallel_loop3A_14 = arith.constant 128 : i32
      %parallel_loop3A_15 = arith.constant 1 : i32
      scf.for %parallel_loop3A_25 = %parallel_loop3A to %parallel_loop3A_14 step %parallel_loop3A_15  : i32 {
        %parallel_loop3A_26 = arith.index_cast %parallel_loop3A_25 : i32 to index
        %parallel_loop3A_27 = arith.constant 0 : index
        %parallel_loop3A_28 = tpu.vector_load %arg8[%parallel_loop3A_26, %parallel_loop3A_27] {strides = array<i32>} : memref<128x64xf32, #tpu.memory_space<vmem>>, vector<1x16xf32>,
        %parallel_loop3A_29 = vector.shape_cast %parallel_loop3A_28 : vector<1x16xf32> to vector<16xf32>
        %parallel_loop3A_30 = arith.constant 0 : i32
        %parallel_loop3A_31 = arith.addi %parallel_loop3A_30, %parallel_loop3A_25 : i32
        %parallel_loop3A_32 = arith.index_cast %parallel_loop3A_31 : i32 to index
        %parallel_loop3A_33 = arith.constant 0 : index
        %parallel_loop3A_34 = tpu.vector_load %arg6[%parallel_loop3A_32, %parallel_loop3A_33] {strides = array<i32>} : memref<200x64xf32, #tpu.memory_space<vmem>>, vector<1x16xf32>,
        %parallel_loop3A_35 = vector.shape_cast %parallel_loop3A_34 : vector<1x16xf32> to vector<16xf32>
        %parallel_loop3A_36 = arith.addf %parallel_loop3A_29, %parallel_loop3A_29 : vector<16xf32>
        %parallel_loop3A_37 = arith.addf %parallel_loop3A_36, %parallel_loop3A_35 : vector<16xf32>
        %parallel_loop3A_38 = arith.index_cast %parallel_loop3A_25 : i32 to index
        %parallel_loop3A_39 = arith.constant 0 : index
        %parallel_loop3A_40 = tpu.vector_load %arg8[%parallel_loop3A_38, %parallel_loop3A_39] {strides = array<i32>} : memref<128x64xf32, #tpu.memory_space<vmem>>, vector<1x16xf32>,
        %parallel_loop3A_41 = vector.shape_cast %parallel_loop3A_40 : vector<1x16xf32> to vector<16xf32>
        %parallel_loop3A_42 = vector.shape_cast %parallel_loop3A_37 : vector<16xf32> to vector<1x16xf32>
        tpu.vector_store %arg8[%parallel_loop3A_38, %parallel_loop3A_39], %parallel_loop3A_42 {strides = array<i32>} : memref<128x64xf32, #tpu.memory_space<vmem>>, vector<1x16xf32>,
        %parallel_loop3A_43 = arith.index_cast %parallel_loop3A_25 : i32 to index
        %parallel_loop3A_44 = arith.constant 16 : index
        %parallel_loop3A_45 = tpu.vector_load %arg8[%parallel_loop3A_43, %parallel_loop3A_44] {strides = array<i32>} : memref<128x64xf32, #tpu.memory_space<vmem>>, vector<1x16xf32>,
        %parallel_loop3A_46 = vector.shape_cast %parallel_loop3A_45 : vector<1x16xf32> to vector<16xf32>
        %parallel_loop3A_47 = arith.constant 0 : i32
        %parallel_loop3A_48 = arith.addi %parallel_loop3A_47, %parallel_loop3A_25 : i32
        %parallel_loop3A_49 = arith.index_cast %parallel_loop3A_48 : i32 to index
        %parallel_loop3A_50 = arith.constant 16 : index
        %parallel_loop3A_51 = tpu.vector_load %arg6[%parallel_loop3A_49, %parallel_loop3A_50] {strides = array<i32>} : memref<200x64xf32, #tpu.memory_space<vmem>>, vector<1x16xf32>,
        %parallel_loop3A_52 = vector.shape_cast %parallel_loop3A_51 : vector<1x16xf32> to vector<16xf32>
        %parallel_loop3A_53 = arith.addf %parallel_loop3A_46, %parallel_loop3A_46 : vector<16xf32>
        %parallel_loop3A_54 = arith.addf %parallel_loop3A_53, %parallel_loop3A_52 : vector<16xf32>
        %parallel_loop3A_55 = arith.index_cast %parallel_loop3A_25 : i32 to index
        %parallel_loop3A_56 = arith.constant 16 : index
        %parallel_loop3A_57 = tpu.vector_load %arg8[%parallel_loop3A_55, %parallel_loop3A_56] {strides = array<i32>} : memref<128x64xf32, #tpu.memory_space<vmem>>, vector<1x16xf32>,
        %parallel_loop3A_58 = vector.shape_cast %parallel_loop3A_57 : vector<1x16xf32> to vector<16xf32>
        %parallel_loop3A_59 = vector.shape_cast %parallel_loop3A_54 : vector<16xf32> to vector<1x16xf32>
        tpu.vector_store %arg8[%parallel_loop3A_55, %parallel_loop3A_56], %parallel_loop3A_59 {strides = array<i32>} : memref<128x64xf32, #tpu.memory_space<vmem>>, vector<1x16xf32>,
        %parallel_loop3A_60 = arith.index_cast %parallel_loop3A_25 : i32 to index
        %parallel_loop3A_61 = arith.constant 32 : index
        %parallel_loop3A_62 = tpu.vector_load %arg8[%parallel_loop3A_60, %parallel_loop3A_61] {strides = array<i32>} : memref<128x64xf32, #tpu.memory_space<vmem>>, vector<1x16xf32>,
        %parallel_loop3A_63 = vector.shape_cast %parallel_loop3A_62 : vector<1x16xf32> to vector<16xf32>
        %parallel_loop3A_64 = arith.constant 0 : i32
        %parallel_loop3A_65 = arith.addi %parallel_loop3A_64, %parallel_loop3A_25 : i32
        %parallel_loop3A_66 = arith.index_cast %parallel_loop3A_65 : i32 to index
        %parallel_loop3A_67 = arith.constant 32 : index
        %parallel_loop3A_68 = tpu.vector_load %arg6[%parallel_loop3A_66, %parallel_loop3A_67] {strides = array<i32>} : memref<200x64xf32, #tpu.memory_space<vmem>>, vector<1x16xf32>,
        %parallel_loop3A_69 = vector.shape_cast %parallel_loop3A_68 : vector<1x16xf32> to vector<16xf32>
        %parallel_loop3A_70 = arith.addf %parallel_loop3A_63, %parallel_loop3A_63 : vector<16xf32>
        %parallel_loop3A_71 = arith.addf %parallel_loop3A_70, %parallel_loop3A_69 : vector<16xf32>
        %parallel_loop3A_72 = arith.index_cast %parallel_loop3A_25 : i32 to index
        %parallel_loop3A_73 = arith.constant 32 : index
        %parallel_loop3A_74 = tpu.vector_load %arg8[%parallel_loop3A_72, %parallel_loop3A_73] {strides = array<i32>} : memref<128x64xf32, #tpu.memory_space<vmem>>, vector<1x16xf32>,
        %parallel_loop3A_75 = vector.shape_cast %parallel_loop3A_74 : vector<1x16xf32> to vector<16xf32>
        %parallel_loop3A_76 = vector.shape_cast %parallel_loop3A_71 : vector<16xf32> to vector<1x16xf32>
        tpu.vector_store %arg8[%parallel_loop3A_72, %parallel_loop3A_73], %parallel_loop3A_76 {strides = array<i32>} : memref<128x64xf32, #tpu.memory_space<vmem>>, vector<1x16xf32>,
        %parallel_loop3A_77 = arith.index_cast %parallel_loop3A_25 : i32 to index
        %parallel_loop3A_78 = arith.constant 48 : index
        %parallel_loop3A_79 = tpu.vector_load %arg8[%parallel_loop3A_77, %parallel_loop3A_78] {strides = array<i32>} : memref<128x64xf32, #tpu.memory_space<vmem>>, vector<1x16xf32>,
        %parallel_loop3A_80 = vector.shape_cast %parallel_loop3A_79 : vector<1x16xf32> to vector<16xf32>
        %parallel_loop3A_81 = arith.constant 0 : i32
        %parallel_loop3A_82 = arith.addi %parallel_loop3A_81, %parallel_loop3A_25 : i32
        %parallel_loop3A_83 = arith.index_cast %parallel_loop3A_82 : i32 to index
        %parallel_loop3A_84 = arith.constant 48 : index
        %parallel_loop3A_85 = tpu.vector_load %arg6[%parallel_loop3A_83, %parallel_loop3A_84] {strides = array<i32>} : memref<200x64xf32, #tpu.memory_space<vmem>>, vector<1x16xf32>,
        %parallel_loop3A_86 = vector.shape_cast %parallel_loop3A_85 : vector<1x16xf32> to vector<16xf32>
        %parallel_loop3A_87 = arith.addf %parallel_loop3A_80, %parallel_loop3A_80 : vector<16xf32>
        %parallel_loop3A_88 = arith.addf %parallel_loop3A_87, %parallel_loop3A_86 : vector<16xf32>
        %parallel_loop3A_89 = arith.index_cast %parallel_loop3A_25 : i32 to index
        %parallel_loop3A_90 = arith.constant 48 : index
        %parallel_loop3A_91 = tpu.vector_load %arg8[%parallel_loop3A_89, %parallel_loop3A_90] {strides = array<i32>} : memref<128x64xf32, #tpu.memory_space<vmem>>, vector<1x16xf32>,
        %parallel_loop3A_92 = vector.shape_cast %parallel_loop3A_91 : vector<1x16xf32> to vector<16xf32>
        %parallel_loop3A_93 = vector.shape_cast %parallel_loop3A_88 : vector<16xf32> to vector<1x16xf32>
        tpu.vector_store %arg8[%parallel_loop3A_89, %parallel_loop3A_90], %parallel_loop3A_93 {strides = array<i32>} : memref<128x64xf32, #tpu.memory_space<vmem>>, vector<1x16xf32>,
      } {sc.loop_unroll_factor = 4 : i64, sc.parallel_access}
      "tpu.region"() ({
        %run_scoped3A = tpu.sem_alloc : memref<!tpu.dma_semaphore, #tpu.memory_space<semaphore_mem>>
        %dma_start3A_25 = arith.constant 0 : i32
        %dma_start3A_26 = arith.constant 0 : i32
        %dma_start3A_27 = tpu.memref_slice %arg5[%add3A_9, %dma_start3A_25, %dma_start3A_26] : memref<1024x200x64xf32, #tpu.memory_space<hbm>> -> memref<1x128x64xf32, #tpu.memory_space<hbm>>
        %dma_start3A_28 = tpu.memref_squeeze %dma_start3A_27 : memref<1x128x64xf32, #tpu.memory_space<hbm>> -> memref<128x64xf32, #tpu.memory_space<hbm>>
        %dma_start3A_29 = arith.constant 0 : i32
        %dma_start3A_30 = arith.constant 0 : i32
        %dma_start3A_31 = tpu.memref_slice %arg5[%add3A_9, %dma_start3A_29, %dma_start3A_30] : memref<1024x200x64xf32, #tpu.memory_space<hbm>> -> memref<1x128x64xf32, #tpu.memory_space<hbm>>
        %dma_start3A_32 = tpu.memref_squeeze %dma_start3A_31 : memref<1x128x64xf32, #tpu.memory_space<hbm>> -> memref<128x64xf32, #tpu.memory_space<hbm>>
        tpu.enqueue_dma source(%arg8 : memref<128x64xf32, #tpu.memory_space<vmem>>) target(%dma_start3A_32 : memref<128x64xf32, #tpu.memory_space<hbm>>) target_semaphore(%run_scoped3A : memref<!tpu.dma_semaphore, #tpu.memory_space<semaphore_mem>>)
        %dma_wait3A_33 = arith.constant 0 : i32
        %dma_wait3A_34 = arith.constant 0 : i32
        %dma_wait3A_35 = tpu.memref_slice %arg5[%add3A_9, %dma_wait3A_33, %dma_wait3A_34] : memref<1024x200x64xf32, #tpu.memory_space<hbm>> -> memref<1x128x64xf32, #tpu.memory_space<hbm>>
        %dma_wait3A_36 = tpu.memref_squeeze %dma_wait3A_35 : memref<1x128x64xf32, #tpu.memory_space<hbm>> -> memref<128x64xf32, #tpu.memory_space<hbm>>
        %dma_wait3A_37 = arith.constant 0 : i32
        %dma_wait3A_38 = arith.constant 0 : i32
        %dma_wait3A_39 = tpu.memref_slice %arg5[%add3A_9, %dma_wait3A_37, %dma_wait3A_38] : memref<1024x200x64xf32, #tpu.memory_space<hbm>> -> memref<1x128x64xf32, #tpu.memory_space<hbm>>
        %dma_wait3A_40 = tpu.memref_squeeze %dma_wait3A_39 : memref<1x128x64xf32, #tpu.memory_space<hbm>> -> memref<128x64xf32, #tpu.memory_space<hbm>>
        tpu.wait_dma2 semaphore(%run_scoped3A : memref<!tpu.dma_semaphore, #tpu.memory_space<semaphore_mem>>) src(%arg8 : memref<128x64xf32, #tpu.memory_space<vmem>>) dst(%dma_wait3A_40 : memref<128x64xf32, #tpu.memory_space<hbm>>)
        tpu.yield
      }) : () -> ()
      "tpu.region"() ({
        %run_scoped3A = tpu.sem_alloc : memref<!tpu.dma_semaphore, #tpu.memory_space<semaphore_mem>>
        %dma_start3A_25 = arith.constant 128 : i32
        %dma_start3A_26 = tpu.memref_slice %arg2[%add3A_9, %dma_start3A_25] : memref<1024x200xi32, #tpu.memory_space<hbm>> -> memref<1x72xi32, #tpu.memory_space<hbm>>
        %dma_start3A_27 = tpu.memref_squeeze %dma_start3A_26 : memref<1x72xi32, #tpu.memory_space<hbm>> -> memref<72xi32, #tpu.memory_space<hbm>>
        %dma_start3A_28 = arith.constant 128 : i32
        %dma_start3A_29 = tpu.memref_slice %arg2[%add3A_9, %dma_start3A_28] : memref<1024x200xi32, #tpu.memory_space<hbm>> -> memref<1x72xi32, #tpu.memory_space<hbm>>
        %dma_start3A_30 = tpu.memref_squeeze %dma_start3A_29 : memref<1x72xi32, #tpu.memory_space<hbm>> -> memref<72xi32, #tpu.memory_space<hbm>>
        tpu.enqueue_dma source(%dma_start3A_30 : memref<72xi32, #tpu.memory_space<hbm>>) target(%arg9 : memref<72xi32, #tpu.memory_space<vmem>>) target_semaphore(%run_scoped3A : memref<!tpu.dma_semaphore, #tpu.memory_space<semaphore_mem>>)
        %dma_wait3A_31 = arith.constant 128 : i32
        %dma_wait3A_32 = tpu.memref_slice %arg2[%add3A_9, %dma_wait3A_31] : memref<1024x200xi32, #tpu.memory_space<hbm>> -> memref<1x72xi32, #tpu.memory_space<hbm>>
        %dma_wait3A_33 = tpu.memref_squeeze %dma_wait3A_32 : memref<1x72xi32, #tpu.memory_space<hbm>> -> memref<72xi32, #tpu.memory_space<hbm>>
        %dma_wait3A_34 = arith.constant 128 : i32
        %dma_wait3A_35 = tpu.memref_slice %arg2[%add3A_9, %dma_wait3A_34] : memref<1024x200xi32, #tpu.memory_space<hbm>> -> memref<1x72xi32, #tpu.memory_space<hbm>>
        %dma_wait3A_36 = tpu.memref_squeeze %dma_wait3A_35 : memref<1x72xi32, #tpu.memory_space<hbm>> -> memref<72xi32, #tpu.memory_space<hbm>>
        tpu.wait_dma2 semaphore(%run_scoped3A : memref<!tpu.dma_semaphore, #tpu.memory_space<semaphore_mem>>) src(%dma_wait3A_36 : memref<72xi32, #tpu.memory_space<hbm>>) dst(%arg9 : memref<72xi32, #tpu.memory_space<vmem>>)
        tpu.yield
      }) : () -> ()
      %dma_start3A_16 = arith.constant 0 : i32
      %dma_start3A_17 = arith.constant 0 : i32
      %dma_start3A_18 = tpu.memref_slice %arg4[%dma_start3A_16, %dma_start3A_17] : memref<1000000x64xf32, #tpu.memory_space<hbm>> -> memref<1000000x64xf32, #tpu.memory_space<hbm>>
      tpu.enqueue_indirect_dma source(%dma_start3A_18 : memref<1000000x64xf32, #tpu.memory_space<hbm>>) target(%arg10 : memref<72x64xf32, #tpu.memory_space<vmem>>) offsets(%arg9 : memref<72xi32, #tpu.memory_space<vmem>>) semaphore(%arg11 : memref<!tpu.dma_semaphore, #tpu.memory_space<semaphore_mem>>)
      %dma_wait3A_19 = arith.constant 0 : i32
      %dma_wait3A_20 = arith.constant 0 : i32
      %dma_wait3A_21 = tpu.memref_slice %arg4[%dma_wait3A_19, %dma_wait3A_20] : memref<1000000x64xf32, #tpu.memory_space<hbm>> -> memref<1000000x64xf32, #tpu.memory_space<hbm>>
      tpu.wait_indirect_dma semaphore(%arg11 : memref<!tpu.dma_semaphore, #tpu.memory_space<semaphore_mem>>) src(%dma_wait3A_21 : memref<1000000x64xf32, #tpu.memory_space<hbm>>) dst(%arg10 : memref<72x64xf32, #tpu.memory_space<vmem>>)
      %parallel_loop3A_22 = arith.constant 0 : i32
      %parallel_loop3A_23 = arith.constant 72 : i32
      %parallel_loop3A_24 = arith.constant 1 : i32
      scf.for %parallel_loop3A_25 = %parallel_loop3A_22 to %parallel_loop3A_23 step %parallel_loop3A_24  : i32 {
        %parallel_loop3A_26 = arith.index_cast %parallel_loop3A_25 : i32 to index
        %parallel_loop3A_27 = arith.constant 0 : index
        %parallel_loop3A_28 = tpu.vector_load %arg10[%parallel_loop3A_26, %parallel_loop3A_27] {strides = array<i32>} : memref<72x64xf32, #tpu.memory_space<vmem>>, vector<1x16xf32>,
        %parallel_loop3A_29 = vector.shape_cast %parallel_loop3A_28 : vector<1x16xf32> to vector<16xf32>
        %parallel_loop3A_30 = arith.constant 128 : i32
        %parallel_loop3A_31 = arith.addi %parallel_loop3A_30, %parallel_loop3A_25 : i32
        %parallel_loop3A_32 = arith.index_cast %parallel_loop3A_31 : i32 to index
        %parallel_loop3A_33 = arith.constant 0 : index
        %parallel_loop3A_34 = tpu.vector_load %arg6[%parallel_loop3A_32, %parallel_loop3A_33] {strides = array<i32>} : memref<200x64xf32, #tpu.memory_space<vmem>>, vector<1x16xf32>,
        %parallel_loop3A_35 = vector.shape_cast %parallel_loop3A_34 : vector<1x16xf32> to vector<16xf32>
        %parallel_loop3A_36 = arith.addf %parallel_loop3A_29, %parallel_loop3A_29 : vector<16xf32>
        %parallel_loop3A_37 = arith.addf %parallel_loop3A_36, %parallel_loop3A_35 : vector<16xf32>
        %parallel_loop3A_38 = arith.index_cast %parallel_loop3A_25 : i32 to index
        %parallel_loop3A_39 = arith.constant 0 : index
        %parallel_loop3A_40 = tpu.vector_load %arg10[%parallel_loop3A_38, %parallel_loop3A_39] {strides = array<i32>} : memref<72x64xf32, #tpu.memory_space<vmem>>, vector<1x16xf32>,
        %parallel_loop3A_41 = vector.shape_cast %parallel_loop3A_40 : vector<1x16xf32> to vector<16xf32>
        %parallel_loop3A_42 = vector.shape_cast %parallel_loop3A_37 : vector<16xf32> to vector<1x16xf32>
        tpu.vector_store %arg10[%parallel_loop3A_38, %parallel_loop3A_39], %parallel_loop3A_42 {strides = array<i32>} : memref<72x64xf32, #tpu.memory_space<vmem>>, vector<1x16xf32>,
        %parallel_loop3A_43 = arith.index_cast %parallel_loop3A_25 : i32 to index
        %parallel_loop3A_44 = arith.constant 16 : index
        %parallel_loop3A_45 = tpu.vector_load %arg10[%parallel_loop3A_43, %parallel_loop3A_44] {strides = array<i32>} : memref<72x64xf32, #tpu.memory_space<vmem>>, vector<1x16xf32>,
        %parallel_loop3A_46 = vector.shape_cast %parallel_loop3A_45 : vector<1x16xf32> to vector<16xf32>
        %parallel_loop3A_47 = arith.constant 128 : i32
        %parallel_loop3A_48 = arith.addi %parallel_loop3A_47, %parallel_loop3A_25 : i32
        %parallel_loop3A_49 = arith.index_cast %parallel_loop3A_48 : i32 to index
        %parallel_loop3A_50 = arith.constant 16 : index
        %parallel_loop3A_51 = tpu.vector_load %arg6[%parallel_loop3A_49, %parallel_loop3A_50] {strides = array<i32>} : memref<200x64xf32, #tpu.memory_space<vmem>>, vector<1x16xf32>,
        %parallel_loop3A_52 = vector.shape_cast %parallel_loop3A_51 : vector<1x16xf32> to vector<16xf32>
        %parallel_loop3A_53 = arith.addf %parallel_loop3A_46, %parallel_loop3A_46 : vector<16xf32>
        %parallel_loop3A_54 = arith.addf %parallel_loop3A_53, %parallel_loop3A_52 : vector<16xf32>
        %parallel_loop3A_55 = arith.index_cast %parallel_loop3A_25 : i32 to index
        %parallel_loop3A_56 = arith.constant 16 : index
        %parallel_loop3A_57 = tpu.vector_load %arg10[%parallel_loop3A_55, %parallel_loop3A_56] {strides = array<i32>} : memref<72x64xf32, #tpu.memory_space<vmem>>, vector<1x16xf32>,
        %parallel_loop3A_58 = vector.shape_cast %parallel_loop3A_57 : vector<1x16xf32> to vector<16xf32>
        %parallel_loop3A_59 = vector.shape_cast %parallel_loop3A_54 : vector<16xf32> to vector<1x16xf32>
        tpu.vector_store %arg10[%parallel_loop3A_55, %parallel_loop3A_56], %parallel_loop3A_59 {strides = array<i32>} : memref<72x64xf32, #tpu.memory_space<vmem>>, vector<1x16xf32>,
        %parallel_loop3A_60 = arith.index_cast %parallel_loop3A_25 : i32 to index
        %parallel_loop3A_61 = arith.constant 32 : index
        %parallel_loop3A_62 = tpu.vector_load %arg10[%parallel_loop3A_60, %parallel_loop3A_61] {strides = array<i32>} : memref<72x64xf32, #tpu.memory_space<vmem>>, vector<1x16xf32>,
        %parallel_loop3A_63 = vector.shape_cast %parallel_loop3A_62 : vector<1x16xf32> to vector<16xf32>
        %parallel_loop3A_64 = arith.constant 128 : i32
        %parallel_loop3A_65 = arith.addi %parallel_loop3A_64, %parallel_loop3A_25 : i32
        %parallel_loop3A_66 = arith.index_cast %parallel_loop3A_65 : i32 to index
        %parallel_loop3A_67 = arith.constant 32 : index
        %parallel_loop3A_68 = tpu.vector_load %arg6[%parallel_loop3A_66, %parallel_loop3A_67] {strides = array<i32>} : memref<200x64xf32, #tpu.memory_space<vmem>>, vector<1x16xf32>,
        %parallel_loop3A_69 = vector.shape_cast %parallel_loop3A_68 : vector<1x16xf32> to vector<16xf32>
        %parallel_loop3A_70 = arith.addf %parallel_loop3A_63, %parallel_loop3A_63 : vector<16xf32>
        %parallel_loop3A_71 = arith.addf %parallel_loop3A_70, %parallel_loop3A_69 : vector<16xf32>
        %parallel_loop3A_72 = arith.index_cast %parallel_loop3A_25 : i32 to index
        %parallel_loop3A_73 = arith.constant 32 : index
        %parallel_loop3A_74 = tpu.vector_load %arg10[%parallel_loop3A_72, %parallel_loop3A_73] {strides = array<i32>} : memref<72x64xf32, #tpu.memory_space<vmem>>, vector<1x16xf32>,
        %parallel_loop3A_75 = vector.shape_cast %parallel_loop3A_74 : vector<1x16xf32> to vector<16xf32>
        %parallel_loop3A_76 = vector.shape_cast %parallel_loop3A_71 : vector<16xf32> to vector<1x16xf32>
        tpu.vector_store %arg10[%parallel_loop3A_72, %parallel_loop3A_73], %parallel_loop3A_76 {strides = array<i32>} : memref<72x64xf32, #tpu.memory_space<vmem>>, vector<1x16xf32>,
        %parallel_loop3A_77 = arith.index_cast %parallel_loop3A_25 : i32 to index
        %parallel_loop3A_78 = arith.constant 48 : index
        %parallel_loop3A_79 = tpu.vector_load %arg10[%parallel_loop3A_77, %parallel_loop3A_78] {strides = array<i32>} : memref<72x64xf32, #tpu.memory_space<vmem>>, vector<1x16xf32>,
        %parallel_loop3A_80 = vector.shape_cast %parallel_loop3A_79 : vector<1x16xf32> to vector<16xf32>
        %parallel_loop3A_81 = arith.constant 128 : i32
        %parallel_loop3A_82 = arith.addi %parallel_loop3A_81, %parallel_loop3A_25 : i32
        %parallel_loop3A_83 = arith.index_cast %parallel_loop3A_82 : i32 to index
        %parallel_loop3A_84 = arith.constant 48 : index
        %parallel_loop3A_85 = tpu.vector_load %arg6[%parallel_loop3A_83, %parallel_loop3A_84] {strides = array<i32>} : memref<200x64xf32, #tpu.memory_space<vmem>>, vector<1x16xf32>,
        %parallel_loop3A_86 = vector.shape_cast %parallel_loop3A_85 : vector<1x16xf32> to vector<16xf32>
        %parallel_loop3A_87 = arith.addf %parallel_loop3A_80, %parallel_loop3A_80 : vector<16xf32>
        %parallel_loop3A_88 = arith.addf %parallel_loop3A_87, %parallel_loop3A_86 : vector<16xf32>
        %parallel_loop3A_89 = arith.index_cast %parallel_loop3A_25 : i32 to index
        %parallel_loop3A_90 = arith.constant 48 : index
        %parallel_loop3A_91 = tpu.vector_load %arg10[%parallel_loop3A_89, %parallel_loop3A_90] {strides = array<i32>} : memref<72x64xf32, #tpu.memory_space<vmem>>, vector<1x16xf32>,
        %parallel_loop3A_92 = vector.shape_cast %parallel_loop3A_91 : vector<1x16xf32> to vector<16xf32>
        %parallel_loop3A_93 = vector.shape_cast %parallel_loop3A_88 : vector<16xf32> to vector<1x16xf32>
        tpu.vector_store %arg10[%parallel_loop3A_89, %parallel_loop3A_90], %parallel_loop3A_93 {strides = array<i32>} : memref<72x64xf32, #tpu.memory_space<vmem>>, vector<1x16xf32>,
      } {sc.loop_unroll_factor = 4 : i64, sc.parallel_access}
      "tpu.region"() ({
        %run_scoped3A = tpu.sem_alloc : memref<!tpu.dma_semaphore, #tpu.memory_space<semaphore_mem>>
        %dma_start3A_25 = arith.constant 128 : i32
        %dma_start3A_26 = arith.constant 0 : i32
        %dma_start3A_27 = tpu.memref_slice %arg5[%add3A_9, %dma_start3A_25, %dma_start3A_26] : memref<1024x200x64xf32, #tpu.memory_space<hbm>> -> memref<1x72x64xf32, #tpu.memory_space<hbm>>
        %dma_start3A_28 = tpu.memref_squeeze %dma_start3A_27 : memref<1x72x64xf32, #tpu.memory_space<hbm>> -> memref<72x64xf32, #tpu.memory_space<hbm>>
        %dma_start3A_29 = arith.constant 128 : i32
        %dma_start3A_30 = arith.constant 0 : i32
        %dma_start3A_31 = tpu.memref_slice %arg5[%add3A_9, %dma_start3A_29, %dma_start3A_30] : memref<1024x200x64xf32, #tpu.memory_space<hbm>> -> memref<1x72x64xf32, #tpu.memory_space<hbm>>
        %dma_start3A_32 = tpu.memref_squeeze %dma_start3A_31 : memref<1x72x64xf32, #tpu.memory_space<hbm>> -> memref<72x64xf32, #tpu.memory_space<hbm>>
        tpu.enqueue_dma source(%arg10 : memref<72x64xf32, #tpu.memory_space<vmem>>) target(%dma_start3A_32 : memref<72x64xf32, #tpu.memory_space<hbm>>) target_semaphore(%run_scoped3A : memref<!tpu.dma_semaphore, #tpu.memory_space<semaphore_mem>>)
        %dma_wait3A_33 = arith.constant 128 : i32
        %dma_wait3A_34 = arith.constant 0 : i32
        %dma_wait3A_35 = tpu.memref_slice %arg5[%add3A_9, %dma_wait3A_33, %dma_wait3A_34] : memref<1024x200x64xf32, #tpu.memory_space<hbm>> -> memref<1x72x64xf32, #tpu.memory_space<hbm>>
        %dma_wait3A_36 = tpu.memref_squeeze %dma_wait3A_35 : memref<1x72x64xf32, #tpu.memory_space<hbm>> -> memref<72x64xf32, #tpu.memory_space<hbm>>
        %dma_wait3A_37 = arith.constant 128 : i32
        %dma_wait3A_38 = arith.constant 0 : i32
        %dma_wait3A_39 = tpu.memref_slice %arg5[%add3A_9, %dma_wait3A_37, %dma_wait3A_38] : memref<1024x200x64xf32, #tpu.memory_space<hbm>> -> memref<1x72x64xf32, #tpu.memory_space<hbm>>
        %dma_wait3A_40 = tpu.memref_squeeze %dma_wait3A_39 : memref<1x72x64xf32, #tpu.memory_space<hbm>> -> memref<72x64xf32, #tpu.memory_space<hbm>>
        tpu.wait_dma2 semaphore(%run_scoped3A : memref<!tpu.dma_semaphore, #tpu.memory_space<semaphore_mem>>) src(%arg10 : memref<72x64xf32, #tpu.memory_space<vmem>>) dst(%dma_wait3A_40 : memref<72x64xf32, #tpu.memory_space<hbm>>)
        tpu.yield
      }) : () -> ()
    }
    %scan3A_5 = arith.constant 32 : i32
    return
  }
}

</mosaic_0001>

<sc_bundles>
// kernel: _embed.3.cloned.1.call-start
scs
__scs_entry_jumppad:
0x0: {  	(pc) =	sbr.rel $0x88, $3  }
0x1: {  	(tag) =	ssettag $0x0;
	lr =	simm.s32 $0x1  }
0x2: {  	[smem:$0x3F9E] =	sst lr;
	_ =	strace $0xD0000000  }
0x3: {  	_ = 	snop  }
0x4: {  	_ = 	snop  }
0x5: {  	_ = 	snop  }
0x6: {  	_ = 	snop  }
0x7: {  	_ = 	snop  }
__scs_overlays_trampoline_lowered:
0x8: {  	[smem:$0x3FAD] =	sst s0  }
0x9: {  	[smem:$0x3FAE] =	sst s1  }
0xa: {  	[smem:$0x3FAF] =	sst s2  }
0xb: {  	[smem:$0x3FB0] =	sst s3  }
0xc: {  	[smem:$0x3FB1] =	sst s4  }
0xd: {  	[smem:$0x3FB2] =	sst s5  }
0xe: {  	[smem:$0x3FB3] =	sst s6  }
0xf: {  	[smem:$0x3FB4] =	sst s7  }
0x10: {  	[smem:$0x3FB5] =	sst s8  }
0x11: {  	[smem:$0x3FB6] =	sst s9;
	s0 =	simm.s32 @!p0 $0x0  }
0x12: {  	s1 =	sld [smem:$0x3F9C];
	s0 =	simm.s32 @p0 $0x1  }
0x13: {  	[smem:$0x3FB7] =	sst s0;
	s0 =	simm.s32 @!p1 $0x0  }
0x14: {  	s2 =	sld [smem:$0x3F9B];
	s0 =	simm.s32 @p1 $0x1  }
0x15: {  	[smem:$0x3FB8] =	sst s0;
	s0 =	simm.s32 @!p2 $0x0  }
0x16: {  	s3 =	sld [smem:$0x3FDB];
	s0 =	simm.s32 @p2 $0x1  }
0x17: {  	s4 =	simm.s32 $0x1BF5;
	[smem:$0x3FBA] =	sst s0  }
0x18: {  	s0 =	sld [smem:$0x3F9D];
	_ =	swait.ge [sflag:s4], $0x0  }
0x19: {  	s7 =	sld [smem:$0x3F9E]  }
0x1a: {  	s8 =	sadd.s32 $0xFFFFE003, lr  }
0x1b: {  	s9 =	sadd.s32 $0xFFFFFEF7, lr;
	s5 =	simm.s32 $0xFFFFFFFF;
	p2 =	slt.u32 s8, $0xFFFFF086  }
0x1c: {  	p1 =	slt.u32 s9, $0xF7A;
	s5 =	simm.s32 @!p2 $0x0  }
0x1d: {  	s5 =	simm.s32 @p1 $0x1;
	p0 =	seq.s32 s7, s2  }
0x1e: {  	s7 =	smul.u32 @!p0 $0xF7A, s2;
	p2 =	seq.s32 @!p0 s5, $0x0  }
0x1f: {  	s9 =	smul.u32 $0xF7A, s1;
	s8 =	simm.s32 @!p0 $0x1BF5;
	p2 =	por !p2, p0  }
0x20: {  	[sflag:s8] =	ssyncset.s32 @!p0 $0xFFFFF086;
	s6 =	sadd.s32 @!p0 s3, s7;
	s7 =	simm.s32 @!p0 $0x108  }
0x21: {  	s3 =	sadd.s32 s3, s9;
	s6 =	sadd.s32 @!p0 $0x88, s6;
	s7 =	simm.s32 @p2 $0x1082  }
0x22: {  	[simem:s7], [sflag:s8] =	dma.local @!p0 [hbm:s6], $0xF7A  }
0x23: {  	s9 =	sor.u32 $0xD0000000, s2;
	s6 =	simm.s32 $0x108;
	_ =	swait.ge @!p0 [sflag:s8], $0x0  }
0x24: {  	s3 =	sadd.s32 $0x88, s3;
	s6 =	simm.s32 @!p1 $0x1082;
	[sflag:s4] =	ssyncset.s32 $0xFFFFF086  }
0x25: {  	[simem:s6], [sflag:s4] =	dma.local [hbm:s3], $0xF7A  }
0x26: {  	[smem:$0x3F9E] =	sst s1;
	(tag) =	ssettag s2;
	_ =	strace s9  }
0x27: {  	s1 =	sld [smem:$0x3FAE]  }
0x28: {  	s2 =	sld [smem:$0x3FAF]  }
0x29: {  	s4 =	sld [smem:$0x3FB1]  }
0x2a: {  	p0 =	seq.s32 s5, $0x0;
	s5 =	sld [smem:$0x3FB2]  }
0x2b: {  	s6 =	sld [smem:$0x3FB3]  }
0x2c: {  	s7 =	sld [smem:$0x3FB4]  }
0x2d: {  	s3 =	simm.s32 $0x108;
	s8 =	sld [smem:$0x3FB5]  }
0x2e: {  	s3 =	simm.s32 @!p0 $0x1082;
	s9 =	sld [smem:$0x3FB6]  }
0x2f: {  	lr =	sadd.s32 s0, s3;
	s0 =	sld [smem:$0x3FAD]  }
0x30: {  	s3 =	sld [smem:$0x3FB0]  }
0x31: {  	[smem:$0x3FB9] =	sst s10  }
0x32: {  	s10 =	sld [smem:$0x3FB7];
	_ =	sdelay $0x3  }
0x33: {  	p0 =	seq.s32 s10, $0x1;
	s10 =	sld [smem:$0x3FB9];
	_ =	sdelay $0x3  }
0x34: {  	[smem:$0x3FB9] =	sst s10  }
0x35: {  	s10 =	sld [smem:$0x3FB8];
	_ =	sdelay $0x3  }
0x36: {  	p1 =	seq.s32 s10, $0x1;
	s10 =	sld [smem:$0x3FB9];
	_ =	sdelay $0x3  }
0x37: {  	[smem:$0x3FB9] =	sst s10  }
0x38: {  	s10 =	sld [smem:$0x3FBA]  }
0x39: {  	_ = 	snop;
	(pc) =	sbr.ind lr, $3  }
0x3a: {  	_ = 	snop  }
0x3b: {  	_ = 	snop  }
0x3c: {  	p2 =	seq.s32 s10, $0x1;
	s10 =	sld [smem:$0x3FB9]  }
0x3d: {  	_ =	shalt  }
0x3e: {  	_ =	shalt  }
0x3f: {  	_ =	shalt  }
0x40: {  	_ =	shalt  }
0x41: {  	_ =	shalt  }
0x42: {  	_ =	shalt  }
0x43: {  	_ =	shalt  }
0x44: {  	_ =	shalt  }
0x45: {  	_ =	shalt  }
0x46: {  	_ =	shalt  }
0x47: {  	_ =	shalt  }
0x48: {  	_ =	shalt  }
0x49: {  	_ =	shalt  }
0x4a: {  	_ =	shalt  }
0x4b: {  	_ =	shalt  }
0x4c: {  	_ =	shalt  }
0x4d: {  	_ =	shalt  }
0x4e: {  	_ =	shalt  }
0x4f: {  	_ =	shalt  }
0x50: {  	_ =	shalt  }
0x51: {  	_ =	shalt  }
0x52: {  	_ =	shalt  }
0x53: {  	_ =	shalt  }
0x54: {  	_ =	shalt  }
0x55: {  	_ =	shalt  }
0x56: {  	_ =	shalt  }
0x57: {  	_ =	shalt  }
0x58: {  	_ =	shalt  }
0x59: {  	_ =	shalt  }
0x5a: {  	_ =	shalt  }
0x5b: {  	_ =	shalt  }
0x5c: {  	_ =	shalt  }
0x5d: {  	_ =	shalt  }
0x5e: {  	_ =	shalt  }
0x5f: {  	_ =	shalt  }
0x60: {  	_ =	shalt  }
0x61: {  	_ =	shalt  }
0x62: {  	_ =	shalt  }
0x63: {  	_ =	shalt  }
0x64: {  	_ =	shalt  }
0x65: {  	_ =	shalt  }
0x66: {  	_ =	shalt  }
0x67: {  	_ =	shalt  }
0x68: {  	_ =	shalt  }
0x69: {  	_ =	shalt  }
0x6a: {  	_ =	shalt  }
0x6b: {  	_ =	shalt  }
0x6c: {  	_ =	shalt  }
0x6d: {  	_ =	shalt  }
0x6e: {  	_ =	shalt  }
0x6f: {  	_ =	shalt  }
0x70: {  	_ =	shalt  }
0x71: {  	_ =	shalt  }
0x72: {  	_ =	shalt  }
0x73: {  	_ =	shalt  }
0x74: {  	_ =	shalt  }
0x75: {  	_ =	shalt  }
0x76: {  	_ =	shalt  }
0x77: {  	_ =	shalt  }
0x78: {  	_ =	shalt  }
0x79: {  	_ =	shalt  }
0x7a: {  	_ =	shalt  }
0x7b: {  	_ =	shalt  }
0x7c: {  	_ =	shalt  }
0x7d: {  	_ =	shalt  }
0x7e: {  	_ =	shalt  }
0x7f: {  	_ =	shalt  }
0x80: {  	_ =	shalt  }
0x81: {  	_ =	shalt  }
0x82: {  	_ =	shalt  }
0x83: {  	_ =	shalt  }
0x84: {  	_ =	shalt  }
0x85: {  	_ =	shalt  }
0x86: {  	_ =	shalt  }
0x87: {  	_ =	shalt  }
.Lfunc_end0:
.L_simem_size_0:
called_computation.1_lowered:
.L_overlay_start_0:
0x88: {  	s2 =	sld [smem:$0x3FD9]  }
0x89: {  	s3 =	sld [smem:$0x3FFE];
	_ =	sdelay $0x1  }
0x8a: {  	s1 =	srdreg.scid  }
0x8b: {  	s0 =	sand.u32 $0x1, s1  }
0x8c: {  	s17 =	sshll.u32 s0, $0xA;
	s2 =	sadd.s32 s3, s2  }
0x8d: {  	s2 =	sadd.s32 s2, s17  }
0x8e: {  	[smem:$0x3FC5] =	sst s2  }
0x8f: {  	_ = 	snop  }
0x90: {  	s2 =	sld [smem:$0x3FD0];
	(tm) =	ssettm $0x1  }
0x91: {  	s18 =	sld [smem:$0x3FFB];
	_ =	sdelay $0x3  }
0x92: {  	_ =	strace s18  }
0x93: {  	s3 =	sld [smem:$0x3FFC];
	_ =	sdelay $0x3  }
0x94: {  	_ =	strace s3  }
0x95: {  	s3 =	sld [smem:$0x3FFD];
	_ =	sdelay $0x3  }
0x96: {  	_ =	strace s3  }
0x97: {  	_ =	strace $0x8FFFFFFF  }
0x98: {  	s19 =	sld [smem:$0x3FDB];
	_ =	sdelay $0x1  }
0x99: {  	s4 =	simm.s32 $_scs_section_size  }
0x9a: {  	s5 =	simm.s32 $_size__tile_overlayer_lowered;
	s6 =	simm.s32 $_tile_overlayer_lowered  }
0x9b: {  	s22 =	simm.s32 $0x1BFF;
	s21 =	sshll.u32 s6, $0x1;
	s3 =	sadd.s32 s4, s19  }
0x9c: {  	s7 =	simm.s32 $0x0;
	s20 =	sshll.u32 s5, $0x1;
	s5 =	sadd.s32 s21, s3  }
0x9d: {  	[timem:s7], [sflag:s22] =	dma.local [hbm:s5], s20  }
0x9e: {  	_ =	swait.ge [sflag:s22], s20  }
0x9f: {  	s4 =	ssub.s32 $0x0, s20;
	[sflag:s22] =	ssyncset.done $0x0  }
0xa0: {  	[sflag:s22] =	ssyncadd.s32 s4;
	_ =	sdelay $0x1  }
0xa1: {  	s23 =	simm.s32 $0x1B8B  }
0xa2: {  	_ =	swait.ge [sflag:s23], $0x1  }
0xa3: {  	[sflag:s23] =	ssyncset.done $0x0  }
0xa4: {  	s25 =	simm.s32 $0x1B8E;
	s24 =	sld [smem:$0x3FFE];
	[sflag:s23] =	ssyncadd.s32 $0xFFFFFFFF  }
0xa5: {  	s26 =	simm.s32 $execute0_lowered;
	[smem:$0x3FD2] =	sst s25  }
0xa6: {  	s5 =	sshll.u32 s26, $0x1;
	_ =	strace $0x80000046;
	[dreg:$0x1] =	wrdreg $0xFFFFFFFF  }
0xa7: {  	s28 =	simm.s32 $_size_execute0_lowered;
	s3 =	sadd.s32 s3, s5;
	[dreg:$0x0] =	wrdreg $0x0  }
0xa8: {  	s5 =	sshll.u32 s28, $0x1;
	[dreg:$0x2] =	wrdreg s3  }
0xa9: {  	[dreg:$0x3] =	wrdreg s5  }
0xaa: {  	[dreg:$0x4] =	wrdreg $0xC0  }
0xab: {  	_ =	task [dreg:s7], $0x5FFFF  }
0xac: {  	[dreg:$0x1] =	wrdreg $0xFFFFFFFF  }
0xad: {  	[dreg:$0x0] =	wrdreg $0x60  }
0xae: {  	[dreg:$0x2] =	wrdreg s24  }
0xaf: {  	[dreg:$0x3] =	wrdreg s2  }
0xb0: {  	[dreg:$0x4] =	wrdreg $0x9  }
0xb1: {  	_ =	task.clear_ibuf [dreg:s7], $0x5FFFF;
	_ =	strace $0x90000046  }
0xb2: {  	s29 =	simm.s32 $0x9;
	_ =	strace $0x80000048  }
0xb3: {  	_ =	swait.ge [sflag:s29], $0x1  }
0xb4: {  	[sflag:s29] =	ssyncadd.s32 $0xFFFFFFFF  }
0xb5: {  	_ =	strace $0x90000048  }
0xb6: {  	_ =	sfence  }
0xb7: {  	s30 =	sld [smem:$0x0];
	_ =	sdelay $0x2  }
0xb8: {  	s31 =	sshll.u32 s1, $0xD;
	s1 =	sshrl.u32 s1, $0x2  }
0xb9: {  	s3 =	sand.u32 $0x4000, s31;
	s1 =	sadd.s32 s1, s30  }
0xba: {  	s0 =	sor.u32 s3, s0;
	s1 =	sshll.u32 s1, $0x11  }
0xbb: {  	s0 =	sor.u32 s1, s0  }
0xbc: {  	s0 =	sadd.s32 $0x8F2B, s0  }
0xbd: {  	[sflag:s0] =	ssyncadd.remote.s32 $0x1  }
0xbe: {  	_ =	sfence.sel $0xFFFF  }
0xbf: {  	[dreg:$0x0] =	wrdreg $0xFFFFFFFF;
	(pc) =	sbr.abs _section_cstart, $3  }
0xc0: {  	[dreg:$0x1] =	wrdreg $0xFFFFFFFF  }
0xc1: {  	_ =	task.clear_ibuf [dreg:s7], $0x2FFFF;
	_ =	strace $0x9FFFFFFF  }
0xc2: {  	(tm) =	ssettm $0x7FFFFFFF  }
0xc3: {  	_ =	shalt  }
tec
execute0_lowered:
.L_overlay_start_1:
0x0: {  	(tag) =	ssettag $0x1  }
0x1: {  	s6 =	rddreg [dreg:$0x0]  }
0x2: {  	s1 =	rddreg [dreg:$0x1]  }
0x3: {  	s0 =	rddreg [dreg:$0x2]  }
0x4: {  	s2 =	simm.s32 $0x0;
	s3 =	srdreg.scid;
	s11 =	simm.s32 $0x3280  }
0x5: {  	s12 =	simm.s32 $0x1;
	s13 =	simm.s32 $0x5280;
	s14 =	simm.s32 $0x48  }
0x6: {  	s15 =	simm.s32 $0x52C8;
	s16 =	simm.s32 $0x0;
	[smem:$0x7FF] =	sst s2  }
0x7: {  	s4 =	sadd.s32 $0xC00, s6;
	s7 =	sand.u32 $0x1, s3;
	s5 =	sadd.s32 $0x7000, s6  }
0x8: {  	s3 =	stileid.u32;
	s6 =	sadd.s32 $0xF43000, s6;
	s8 =	ssub.s32 $0x2, s7  }
0x9: {  	s10 =	sshll.u32 s3, $0x6;
	s7 =	sshll.u32 s7, $0x5;
	s9 =	sshrl.u32 s8, $0x1  }
0xa: {  	_ =	strace $0x80000047;
	s7 =	sor.u32 s7, s10;
	s8 =	ssub.s32 s8, s9  }
0xb: {  	s10 =	simm.s32 $0x3200;
	s9 =	simm.s32 $0x2;
	s8 =	smax.u32 s8, $0x1  }
.LBB2_1:
0xc: {  	[tilespmem:s2], [sflag:$0x2] =	stream.linear.gather [hbm4b:s5+s2], $0x3200, $0x38;
	[tilespmem:$0x64C8] =	vst v63  }
0xd: {  	_ =	swait.ge [sflag:s9], $0x3200  }
0xe: {  	[sflag:s9] =	ssyncset.done $0x0  }
0xf: {  	s17 =	simm.s32 $0x0;
	[sflag:s9] =	ssyncadd.s32 $0xFFFFCE00  }
.LBB2_2:
0x10: {  	s19 =	sadd.s32 s7, s17  }
0x11: {  	s18 =	smul.u32 $0xC8, s19;
	_ =	sdelay $0x1  }
0x12: {  	s18 =	sshrl.u32 s18, $0x3  }
0x13: {  	s18 =	sadd.s32 s4, s18  }
0x14: {  	[tilespmem:s10], [sflag:$0x2] =	stream.linear.gather [hbm4b:s18+s2], $0x80, $0x38;
	[tilespmem:$0x64C8] =	vst v63  }
0x15: {  	_ =	swait.ge [sflag:s9], $0x80  }
0x16: {  	[sflag:s9] =	ssyncset.done $0x0  }
0x17: {  	s23 =	simm.s32 $0x80;
	[sflag:s9] =	ssyncadd.s32 $0xFFFFFF80  }
0x18: {  	[tilespmem:s11], [sflag:$0x1] =	stream.indirect.gather [hbm4b:s6+s23], $0x40, s10, s23, $0xb8;
	[tilespmem:$0x64C8] =	vst v63  }
0x19: {  	_ =	swait.ge [sflag:s12], $0x2000  }
0x1a: {  	[sflag:s12] =	ssyncset.done $0x0  }
0x1b: {  	s20 =	simm.s32 $0x3300;
	[sflag:s12] =	ssyncadd.s32 $0xFFFFE000  }
0x1c: {  	v0 =	vld [tilespmem:s20+$0x40]  }
0x1d: {  	v1 =	vld [tilespmem:s20+$0xFFFFFFC0]  }
0x1e: {  	v2 =	vld [tilespmem:s23+$0x40]  }
0x1f: {  	v3 =	vld [tilespmem:s20+$0xFFFFFF80]  }
0x20: {  	v4 =	vld [tilespmem:s20+$0x0]  }
0x21: {  	v5 =	vld [tilespmem:s23+$0xFFFFFF80]  }
0x22: {  	v6 =	vld [tilespmem:s23+$0xFFFFFFC0]  }
0x23: {  	v7 =	vld [tilespmem:s23+$0x0]  }
0x24: {  	s21 =	simm.s32 $0x3400;
	v8 =	vld [tilespmem:s20+$0xFFFFFF90]  }
0x25: {  	v9 =	vld [tilespmem:s21+$0x40]  }
0x26: {  	s22 =	simm.s32 $0x180;
	v10 =	vld [tilespmem:s21+$0xFFFFFFC0]  }
0x27: {  	v11 =	vld [tilespmem:s22+$0x40]  }
0x28: {  	v12 =	vld [tilespmem:s21+$0xFFFFFF80]  }
0x29: {  	v13 =	vld [tilespmem:s21+$0x0]  }
0x2a: {  	v14 =	vld [tilespmem:s22+$0xFFFFFF80]  }
0x2b: {  	v15 =	vld [tilespmem:s22+$0xFFFFFFC0]  }
0x2c: {  	v16 =	vld [tilespmem:s22+$0x0]  }
0x2d: {  	v17 =	vld [tilespmem:s21+$0xFFFFFF90]  }
0x2e: {  	v53 =	vld [tilespmem:s21+$0xFFFFFFD0]  }
0x2f: {  	v54 =	vld [tilespmem:s21+$0x10]  }
0x30: {  	v55 =	vld [tilespmem:s21+$0xFFFFFFA0]  }
0x31: {  	v56 =	vld [tilespmem:s21+$0x60];
	v0 =	vadd.f32 v0, v0  }
0x32: {  	v59 =	vld [tilespmem:s21+$0xFFFFFFE0];
	v3 =	vadd.f32 v3, v3  }
0x33: {  	v1 =	vadd.f32 v1, v1;
	v0 =	vadd.f32 v2, v0;
	v2 =	vld [tilespmem:s20+$0x50]  }
0x34: {  	v9 =	vadd.f32 v9, v9;
	v3 =	vadd.f32 v5, v3;
	v5 =	vld [tilespmem:s20+$0xFFFFFFD0]  }
0x35: {  	v4 =	vadd.f32 v4, v4;
	v1 =	vadd.f32 v6, v1;
	v6 =	vld [tilespmem:s20+$0x10]  }
0x36: {  	v9 =	vadd.f32 v11, v9;
	v11 =	vld [tilespmem:s21+$0x50];
	[tilespmem:s20+$0x40] =	vst v0  }
0x37: {  	v12 =	vadd.f32 v12, v12;
	[tilespmem:s20+$0xFFFFFFC0] =	vst v1;
	v1 =	vadd.f32 v7, v4;
	v7 =	vld [tilespmem:s20+$0xFFFFFFA0]  }
0x38: {  	v13 =	vadd.f32 v13, v13;
	[tilespmem:s20+$0xFFFFFF80] =	vst v3;
	v0 =	vld [tilespmem:s23+$0x50]  }
0x39: {  	v12 =	vadd.f32 v14, v12;
	v3 =	vld [tilespmem:s23+$0xFFFFFF90]  }
0x3a: {  	v13 =	vadd.f32 v16, v13;
	[tilespmem:s21+$0x40] =	vst v9;
	v9 =	vadd.f32 v10, v10;
	v4 =	vld [tilespmem:s23+$0xFFFFFFD0]  }
0x3b: {  	[tilespmem:s21+$0xFFFFFF80] =	vst v12;
	v10 =	vld [tilespmem:s22+$0x50]  }
0x3c: {  	[tilespmem:s21+$0x0] =	vst v13;
	v12 =	vld [tilespmem:s22+$0xFFFFFF90];
	v9 =	vadd.f32 v15, v9  }
0x3d: {  	v57 =	vld [tilespmem:s22+$0x10];
	[tilespmem:s20+$0x0] =	vst v1;
	v2 =	vadd.f32 v2, v2  }
0x3e: {  	v1 =	vld [tilespmem:s20+$0x60];
	v5 =	vadd.f32 v5, v5;
	[tilespmem:s21+$0xFFFFFFC0] =	vst v9  }
0x3f: {  	v11 =	vadd.f32 v11, v11;
	v9 =	vld [tilespmem:s22+$0xFFFFFFD0];
	v0 =	vadd.f32 v0, v2  }
0x40: {  	v2 =	vadd.f32 v8, v8;
	v8 =	vld [tilespmem:s23+$0x10];
	v4 =	vadd.f32 v4, v5  }
0x41: {  	v5 =	vadd.f32 v6, v6;
	v6 =	vld [tilespmem:s20+$0x20];
	v10 =	vadd.f32 v10, v11  }
0x42: {  	v11 =	vadd.f32 v17, v17;
	[tilespmem:s20+$0x50] =	vst v0;
	v2 =	vadd.f32 v3, v2;
	v3 =	vld [tilespmem:s20+$0xFFFFFFE0]  }
0x43: {  	[tilespmem:s21+$0x50] =	vst v10;
	v10 =	vadd.f32 v53, v53;
	v0 =	vld [tilespmem:s23+$0x60]  }
0x44: {  	v11 =	vadd.f32 v12, v11;
	v58 =	vld [tilespmem:s22+$0x60]  }
0x45: {  	[tilespmem:s20+$0xFFFFFF90] =	vst v2;
	v9 =	vadd.f32 v9, v10;
	v10 =	vld [tilespmem:s21+$0x20]  }
0x46: {  	[tilespmem:s21+$0xFFFFFF90] =	vst v11;
	v11 =	vld [tilespmem:s21+$0xFFFFFFB0]  }
0x47: {  	[tilespmem:s20+$0xFFFFFFD0] =	vst v4;
	v2 =	vld [tilespmem:s23+$0xFFFFFFA0]  }
0x48: {  	v4 =	vadd.f32 v8, v5;
	v5 =	vld [tilespmem:s23+$0xFFFFFFE0]  }
0x49: {  	v1 =	vadd.f32 v1, v1;
	v8 =	vld [tilespmem:s20+$0xFFFFFFB0]  }
0x4a: {  	v60 =	vld [tilespmem:s22+$0xFFFFFFA0];
	[tilespmem:s21+$0xFFFFFFD0] =	vst v9  }
0x4b: {  	[tilespmem:s20+$0x10] =	vst v4;
	v4 =	vld [tilespmem:s20+$0x70];
	v0 =	vadd.f32 v0, v1;
	v1 =	vadd.f32 v7, v7  }
0x4c: {  	v61 =	vld [tilespmem:s22+$0xFFFFFFE0]  }
0x4d: {  	v3 =	vadd.f32 v3, v3;
	v7 =	vld [tilespmem:s23+$0x20];
	[tilespmem:s20+$0x60] =	vst v0;
	v1 =	vadd.f32 v2, v1  }
0x4e: {  	v0 =	vld [tilespmem:s23+$0x70]  }
0x4f: {  	v15 =	vadd.f32 v54, v54;
	v2 =	vld [tilespmem:s20+$0xFFFFFFF0];
	v3 =	vadd.f32 v5, v3;
	[tilespmem:s20+$0xFFFFFFA0] =	vst v1  }
0x50: {  	v13 =	vadd.f32 v56, v56;
	v6 =	vadd.f32 v6, v6;
	v1 =	vld [tilespmem:s23+$0xFFFFFFB0]  }
0x51: {  	v9 =	vadd.f32 v57, v15;
	v5 =	vld [tilespmem:s20+$0x30];
	[tilespmem:s20+$0xFFFFFFE0] =	vst v3;
	v4 =	vadd.f32 v4, v4  }
0x52: {  	v3 =	vld [tilespmem:s23+$0xFFFFFFF0];
	v6 =	vadd.f32 v7, v6;
	v7 =	vadd.f32 v58, v13  }
0x53: {  	[tilespmem:s21+$0x10] =	vst v9;
	v0 =	vadd.f32 v0, v4;
	v4 =	vadd.f32 v8, v8;
	v8 =	vld [tilespmem:s21+$0x70]  }
0x54: {  	v9 =	vadd.f32 v2, v2;
	v2 =	vadd.f32 v55, v55;
	[tilespmem:s21+$0x60] =	vst v7;
	v7 =	vld [tilespmem:s22+$0x20]  }
0x55: {  	[tilespmem:s20+$0x20] =	vst v6;
	v62 =	vld [tilespmem:s22+$0x70];
	v1 =	vadd.f32 v1, v4;
	v4 =	vadd.f32 v59, v59  }
0x56: {  	v10 =	vadd.f32 v10, v10;
	[tilespmem:s20+$0x70] =	vst v0;
	v0 =	vadd.f32 v60, v2;
	v2 =	vld [tilespmem:s21+$0xFFFFFFF0]  }
0x57: {  	v6 =	vadd.f32 v3, v9;
	v3 =	vld [tilespmem:s21+$0x30];
	[tilespmem:s20+$0xFFFFFFB0] =	vst v1;
	v9 =	vadd.f32 v61, v4  }
0x58: {  	[tilespmem:s21+$0xFFFFFFA0] =	vst v0;
	v4 =	vld [tilespmem:s23+$0x30];
	v63 =	vadd.f32 v8, v8  }
0x59: {  	v0 =	vadd.f32 v5, v5;
	v5 =	vld [tilespmem:s22+$0xFFFFFFB0];
	v8 =	vadd.f32 v7, v10;
	[tilespmem:s21+$0xFFFFFFE0] =	vst v9  }
0x5a: {  	s25 =	simm.s32 $0x3500;
	s24 =	simm.s32 $0x180;
	v1 =	vadd.f32 v11, v11;
	s23 =	simm.s32 $0x4;
	[tilespmem:s20+$0xFFFFFFF0] =	vst v6;
	v6 =	vld [tilespmem:s22+$0xFFFFFFF0];
	v7 =	vadd.f32 v62, v63  }
.LBB2_3:
0x5b: {  	v9 =	vld [tilespmem:s25+$0x40];
	s23 =	sadd.s32 $0x4, s23;
	v2 =	vadd.f32 v2, v2;
	[tilespmem:s21+$0x20] =	vst v8  }
0x5c: {  	s22 =	sadd.s32 $0x100, s22;
	v8 =	vld [tilespmem:s25+$0xFFFFFFC0];
	p0 =	slt.u32 s23, $0x7C;
	v3 =	vadd.f32 v3, v3;
	[tilespmem:s21+$0x70] =	vst v7  }
0x5d: {  	v7 =	vld [tilespmem:s22+$0x40];
	v4 =	vadd.f32 v4, v0  }
0x5e: {  	v10 =	vld [tilespmem:s25+$0x0];
	v1 =	vadd.f32 v5, v1;
	v0 =	vmov v3  }
0x5f: {  	v3 =	vld [tilespmem:s25+$0xFFFFFF80];
	v2 =	vadd.f32 v6, v2;
	[tilespmem:s20+$0x30] =	vst v4;
	s20 =	smov.u32 s21;
	s21 =	smov.u32 s25  }
0x60: {  	v4 =	vld [tilespmem:s22+$0xFFFFFF80];
	v5 =	vadd.f32 v9, v9;
	[tilespmem:s20+$0xFFFFFFB0] =	vst v1  }
0x61: {  	v1 =	vld [tilespmem:s22+$0xFFFFFFC0];
	v6 =	vadd.f32 v8, v8;
	[tilespmem:s20+$0xFFFFFFF0] =	vst v2  }
0x62: {  	v2 =	vld [tilespmem:s22+$0x0];
	v5 =	vadd.f32 v7, v5  }
0x63: {  	v7 =	vadd.f32 v10, v10;
	v8 =	vld [tilespmem:s25+$0x50]  }
0x64: {  	v3 =	vadd.f32 v3, v3;
	v9 =	vld [tilespmem:s25+$0xFFFFFF90];
	[tilespmem:s25+$0x40] =	vst v5  }
0x65: {  	v5 =	vld [tilespmem:s22+$0x50]  }
0x66: {  	v3 =	vadd.f32 v4, v3;
	v1 =	vadd.f32 v1, v6;
	v4 =	vld [tilespmem:s25+$0xFFFFFFD0]  }
0x67: {  	v2 =	vadd.f32 v2, v7;
	v6 =	vld [tilespmem:s25+$0x10]  }
0x68: {  	[tilespmem:s25+$0xFFFFFF80] =	vst v3;
	v3 =	vld [tilespmem:s25+$0xFFFFFFA0];
	v7 =	vadd.f32 v8, v8  }
0x69: {  	v8 =	vld [tilespmem:s22+$0xFFFFFF90];
	v9 =	vadd.f32 v9, v9;
	[tilespmem:s25+$0xFFFFFFC0] =	vst v1  }
0x6a: {  	v1 =	vld [tilespmem:s22+$0xFFFFFFD0];
	[tilespmem:s25+$0x0] =	vst v2;
	v2 =	vadd.f32 v5, v7  }
0x6b: {  	v4 =	vadd.f32 v4, v4;
	v5 =	vld [tilespmem:s25+$0x60]  }
0x6c: {  	v7 =	vld [tilespmem:s22+$0x10];
	v6 =	vadd.f32 v6, v6;
	[tilespmem:s25+$0x50] =	vst v2  }
0x6d: {  	v2 =	vadd.f32 v3, v3;
	v3 =	vld [tilespmem:s22+$0x60]  }
0x6e: {  	v8 =	vadd.f32 v8, v9;
	v9 =	vld [tilespmem:s25+$0xFFFFFFE0]  }
0x6f: {  	v1 =	vadd.f32 v1, v4;
	v4 =	vld [tilespmem:s25+$0x20]  }
0x70: {  	[tilespmem:s25+$0xFFFFFF90] =	vst v8;
	v8 =	vld [tilespmem:s25+$0xFFFFFFB0];
	v5 =	vadd.f32 v5, v5  }
0x71: {  	v10 =	vld [tilespmem:s22+$0xFFFFFFA0];
	[tilespmem:s25+$0xFFFFFFD0] =	vst v1;
	v1 =	vadd.f32 v7, v6  }
0x72: {  	v6 =	vld [tilespmem:s22+$0xFFFFFFE0];
	v3 =	vadd.f32 v3, v5  }
0x73: {  	v5 =	vadd.f32 v9, v9;
	[tilespmem:s25+$0x10] =	vst v1;
	v7 =	vld [tilespmem:s25+$0x70]  }
0x74: {  	v9 =	vld [tilespmem:s22+$0x20];
	v11 =	vadd.f32 v4, v4;
	[tilespmem:s25+$0x60] =	vst v3  }
0x75: {  	v1 =	vadd.f32 v8, v8;
	v12 =	vld [tilespmem:s22+$0x70]  }
.Ltmp0:
0x76: {  	v4 =	vadd.f32 v10, v2;
	v2 =	vld [tilespmem:s25+$0xFFFFFFF0];
	(pc) =	sbr.rel @p0 .LBB2_3-.Ltmp0, $4  }
0x77: {  	v6 =	vadd.f32 v6, v5;
	v3 =	vld [tilespmem:s25+$0x30]  }
0x78: {  	[tilespmem:s25+$0xFFFFFFA0] =	vst v4;
	v7 =	vadd.f32 v7, v7;
	v4 =	vld [tilespmem:s24+$0x30];
	s24 =	smov.u32 s22  }
0x79: {  	v5 =	vld [tilespmem:s22+$0xFFFFFFB0];
	[tilespmem:s25+$0xFFFFFFE0] =	vst v6;
	v8 =	vadd.f32 v9, v11  }
0x7a: {  	s25 =	sadd.s32 $0x100, s25;
	v6 =	vld [tilespmem:s22+$0xFFFFFFF0];
	v7 =	vadd.f32 v12, v7  }
0x7b: {  	[tilespmem:s21+$0x20] =	vst v8  }
0x7c: {  	v8 =	vld [tilespmem:s24+$0x30];
	_ =	sdelay $0x1  }
0x7d: {  	v2 =	vadd.f32 v2, v2;
	v0 =	vadd.f32 v4, v0  }
0x7e: {  	v3 =	vadd.f32 v3, v3;
	[tilespmem:s21+$0x70] =	vst v7;
	v1 =	vadd.f32 v5, v1  }
0x7f: {  	s19 =	smul.u32 $0x3200, s19;
	v2 =	vadd.f32 v6, v2;
	[tilespmem:s20+$0x30] =	vst v0  }
0x80: {  	[tilespmem:s21+$0xFFFFFFB0] =	vst v1;
	v0 =	vadd.f32 v8, v3  }
0x81: {  	s19 =	sshrl.u32 s19, $0x3;
	[tilespmem:s21+$0xFFFFFFF0] =	vst v2  }
0x82: {  	s19 =	sadd.s32 s1, s19;
	[tilespmem:s21+$0x30] =	vst v0  }
0x83: {  	[hbm4b:s19+s2] =	stream.linear.scatter [tilespmem:s11], [sflag:$0x2], $0x2000, $0x38;
	[tilespmem:$0x64C8] =	vst v63  }
0x84: {  	_ =	swait.ge [sflag:s9], $0x2000  }
0x85: {  	[sflag:s9] =	ssyncset.done $0x0  }
0x86: {  	s18 =	sadd.s32 $0x10, s18;
	[sflag:s9] =	ssyncadd.s32 $0xFFFFE000  }
0x87: {  	[tilespmem:s13], [sflag:$0x2] =	stream.linear.gather [hbm4b:s18+s2], $0x48, $0x38;
	[tilespmem:$0x64C8] =	vst v63  }
0x88: {  	_ =	swait.ge [sflag:s9], $0x48  }
0x89: {  	[sflag:s9] =	ssyncset.done $0x0  }
0x8a: {  	[sflag:s9] =	ssyncadd.s32 $0xFFFFFFB8  }
0x8b: {  	[tilespmem:s15], [sflag:$0x1] =	stream.indirect.gather [hbm4b:s6+s14], $0x40, s13, s14, $0xb8;
	[tilespmem:$0x64C8] =	vst v63  }
0x8c: {  	_ =	swait.ge [sflag:s12], $0x1200  }
0x8d: {  	[sflag:s12] =	ssyncset.done $0x0  }
0x8e: {  	s18 =	simm.s32 $0x5348;
	[sflag:s12] =	ssyncadd.s32 $0xFFFFEE00  }
0x8f: {  	v0 =	vld [tilespmem:s18+$0x40]  }
0x90: {  	s22 =	simm.s32 $0x20F0;
	v1 =	vld [tilespmem:s18+$0xFFFFFFC0]  }
0x91: {  	v2 =	vld [tilespmem:s22+$0xFFFFFFD0]  }
0x92: {  	v3 =	vld [tilespmem:s18+$0xFFFFFF80]  }
0x93: {  	v4 =	vld [tilespmem:s18+$0x0]  }
0x94: {  	v5 =	vld [tilespmem:s22+$0xFFFFFF10]  }
0x95: {  	v6 =	vld [tilespmem:s22+$0xFFFFFF50]  }
0x96: {  	v7 =	vld [tilespmem:s22+$0xFFFFFF90]  }
0x97: {  	s20 =	simm.s32 $0x5448;
	v8 =	vld [tilespmem:s18+$0xFFFFFF90]  }
0x98: {  	v9 =	vld [tilespmem:s20+$0x40]  }
0x99: {  	s21 =	simm.s32 $0x21F0;
	v10 =	vld [tilespmem:s20+$0xFFFFFFC0]  }
0x9a: {  	v11 =	vld [tilespmem:s21+$0xFFFFFFD0]  }
0x9b: {  	v12 =	vld [tilespmem:s20+$0xFFFFFF80]  }
0x9c: {  	v13 =	vld [tilespmem:s20+$0x0]  }
0x9d: {  	v14 =	vld [tilespmem:s21+$0xFFFFFF10]  }
0x9e: {  	v15 =	vld [tilespmem:s21+$0xFFFFFF50]  }
0x9f: {  	v16 =	vld [tilespmem:s21+$0xFFFFFF90]  }
0xa0: {  	v17 =	vld [tilespmem:s20+$0xFFFFFF90]  }
0xa1: {  	v53 =	vld [tilespmem:s20+$0xFFFFFFD0]  }
0xa2: {  	v54 =	vld [tilespmem:s20+$0x10]  }
0xa3: {  	v55 =	vld [tilespmem:s20+$0xFFFFFFA0]  }
0xa4: {  	v56 =	vld [tilespmem:s20+$0x60];
	v0 =	vadd.f32 v0, v0  }
0xa5: {  	v59 =	vld [tilespmem:s20+$0xFFFFFFE0];
	v3 =	vadd.f32 v3, v3  }
0xa6: {  	v1 =	vadd.f32 v1, v1;
	v0 =	vadd.f32 v2, v0;
	v2 =	vld [tilespmem:s18+$0x50]  }
0xa7: {  	v9 =	vadd.f32 v9, v9;
	v3 =	vadd.f32 v5, v3;
	v5 =	vld [tilespmem:s18+$0xFFFFFFD0]  }
0xa8: {  	v4 =	vadd.f32 v4, v4;
	v1 =	vadd.f32 v6, v1;
	v6 =	vld [tilespmem:s18+$0x10]  }
0xa9: {  	v9 =	vadd.f32 v11, v9;
	v11 =	vld [tilespmem:s20+$0x50];
	[tilespmem:s18+$0x40] =	vst v0  }
0xaa: {  	v12 =	vadd.f32 v12, v12;
	[tilespmem:s18+$0xFFFFFFC0] =	vst v1;
	v1 =	vadd.f32 v7, v4;
	v7 =	vld [tilespmem:s18+$0xFFFFFFA0]  }
0xab: {  	v13 =	vadd.f32 v13, v13;
	[tilespmem:s18+$0xFFFFFF80] =	vst v3;
	v0 =	vld [tilespmem:s22+$0xFFFFFFE0]  }
0xac: {  	v12 =	vadd.f32 v14, v12;
	v3 =	vld [tilespmem:s22+$0xFFFFFF20]  }
0xad: {  	v13 =	vadd.f32 v16, v13;
	[tilespmem:s20+$0x40] =	vst v9;
	v9 =	vadd.f32 v10, v10;
	v4 =	vld [tilespmem:s22+$0xFFFFFF60]  }
0xae: {  	[tilespmem:s20+$0xFFFFFF80] =	vst v12;
	v10 =	vld [tilespmem:s21+$0xFFFFFFE0]  }
0xaf: {  	[tilespmem:s20+$0x0] =	vst v13;
	v12 =	vld [tilespmem:s21+$0xFFFFFF20];
	v9 =	vadd.f32 v15, v9  }
0xb0: {  	v57 =	vld [tilespmem:s21+$0xFFFFFFA0];
	[tilespmem:s18+$0x0] =	vst v1;
	v2 =	vadd.f32 v2, v2  }
0xb1: {  	v1 =	vld [tilespmem:s18+$0x60];
	v5 =	vadd.f32 v5, v5;
	[tilespmem:s20+$0xFFFFFFC0] =	vst v9  }
0xb2: {  	v11 =	vadd.f32 v11, v11;
	v9 =	vld [tilespmem:s21+$0xFFFFFF60];
	v0 =	vadd.f32 v0, v2  }
0xb3: {  	v2 =	vadd.f32 v8, v8;
	v8 =	vld [tilespmem:s22+$0xFFFFFFA0];
	v4 =	vadd.f32 v4, v5  }
0xb4: {  	v5 =	vadd.f32 v6, v6;
	v6 =	vld [tilespmem:s18+$0x20];
	v10 =	vadd.f32 v10, v11  }
0xb5: {  	v11 =	vadd.f32 v17, v17;
	[tilespmem:s18+$0x50] =	vst v0;
	v2 =	vadd.f32 v3, v2;
	v3 =	vld [tilespmem:s18+$0xFFFFFFE0]  }
0xb6: {  	[tilespmem:s20+$0x50] =	vst v10;
	v10 =	vadd.f32 v53, v53;
	v0 =	vld [tilespmem:s22+$0xFFFFFFF0]  }
0xb7: {  	v11 =	vadd.f32 v12, v11;
	v58 =	vld [tilespmem:s21+$0xFFFFFFF0]  }
0xb8: {  	[tilespmem:s18+$0xFFFFFF90] =	vst v2;
	v9 =	vadd.f32 v9, v10;
	v10 =	vld [tilespmem:s20+$0x20]  }
0xb9: {  	[tilespmem:s20+$0xFFFFFF90] =	vst v11;
	v11 =	vld [tilespmem:s20+$0xFFFFFFB0]  }
0xba: {  	[tilespmem:s18+$0xFFFFFFD0] =	vst v4;
	v2 =	vld [tilespmem:s22+$0xFFFFFF30]  }
0xbb: {  	v4 =	vadd.f32 v8, v5;
	v5 =	vld [tilespmem:s22+$0xFFFFFF70]  }
0xbc: {  	v1 =	vadd.f32 v1, v1;
	v8 =	vld [tilespmem:s18+$0xFFFFFFB0]  }
0xbd: {  	v60 =	vld [tilespmem:s21+$0xFFFFFF30];
	[tilespmem:s20+$0xFFFFFFD0] =	vst v9  }
0xbe: {  	[tilespmem:s18+$0x10] =	vst v4;
	v4 =	vld [tilespmem:s18+$0x70];
	v0 =	vadd.f32 v0, v1;
	v1 =	vadd.f32 v7, v7  }
0xbf: {  	v61 =	vld [tilespmem:s21+$0xFFFFFF70]  }
0xc0: {  	v3 =	vadd.f32 v3, v3;
	v7 =	vld [tilespmem:s22+$0xFFFFFFB0];
	[tilespmem:s18+$0x60] =	vst v0;
	v1 =	vadd.f32 v2, v1  }
0xc1: {  	v0 =	vld [tilespmem:s22+$0x0]  }
0xc2: {  	v15 =	vadd.f32 v54, v54;
	v2 =	vld [tilespmem:s18+$0xFFFFFFF0];
	v3 =	vadd.f32 v5, v3;
	[tilespmem:s18+$0xFFFFFFA0] =	vst v1  }
0xc3: {  	v13 =	vadd.f32 v56, v56;
	v6 =	vadd.f32 v6, v6;
	v1 =	vld [tilespmem:s22+$0xFFFFFF40]  }
0xc4: {  	v9 =	vadd.f32 v57, v15;
	v5 =	vld [tilespmem:s18+$0x30];
	[tilespmem:s18+$0xFFFFFFE0] =	vst v3;
	v4 =	vadd.f32 v4, v4  }
0xc5: {  	v3 =	vld [tilespmem:s22+$0xFFFFFF80];
	v6 =	vadd.f32 v7, v6;
	v7 =	vadd.f32 v58, v13  }
0xc6: {  	[tilespmem:s20+$0x10] =	vst v9;
	v0 =	vadd.f32 v0, v4;
	v4 =	vadd.f32 v8, v8;
	v8 =	vld [tilespmem:s20+$0x70]  }
0xc7: {  	v9 =	vadd.f32 v2, v2;
	v2 =	vadd.f32 v55, v55;
	[tilespmem:s20+$0x60] =	vst v7;
	v7 =	vld [tilespmem:s21+$0xFFFFFFB0]  }
0xc8: {  	[tilespmem:s18+$0x20] =	vst v6;
	v62 =	vld [tilespmem:s21+$0x0];
	v1 =	vadd.f32 v1, v4;
	v4 =	vadd.f32 v59, v59  }
0xc9: {  	v10 =	vadd.f32 v10, v10;
	[tilespmem:s18+$0x70] =	vst v0;
	v0 =	vadd.f32 v60, v2;
	v2 =	vld [tilespmem:s20+$0xFFFFFFF0]  }
0xca: {  	v6 =	vadd.f32 v3, v9;
	v3 =	vld [tilespmem:s20+$0x30];
	[tilespmem:s18+$0xFFFFFFB0] =	vst v1;
	v9 =	vadd.f32 v61, v4  }
0xcb: {  	[tilespmem:s20+$0xFFFFFFA0] =	vst v0;
	v4 =	vld [tilespmem:s22+$0xFFFFFFC0];
	v63 =	vadd.f32 v8, v8  }
0xcc: {  	v0 =	vadd.f32 v5, v5;
	v5 =	vld [tilespmem:s21+$0xFFFFFF40];
	v8 =	vadd.f32 v7, v10;
	[tilespmem:s20+$0xFFFFFFE0] =	vst v9  }
0xcd: {  	s23 =	simm.s32 $0x21F0;
	s24 =	simm.s32 $0x5548;
	v1 =	vadd.f32 v11, v11;
	s22 =	simm.s32 $0x4;
	[tilespmem:s18+$0xFFFFFFF0] =	vst v6;
	v6 =	vld [tilespmem:s21+$0xFFFFFF80];
	v7 =	vadd.f32 v62, v63  }
.LBB2_5:
0xce: {  	v9 =	vld [tilespmem:s24+$0x40];
	s22 =	sadd.s32 $0x4, s22;
	v2 =	vadd.f32 v2, v2;
	[tilespmem:s20+$0x20] =	vst v8  }
0xcf: {  	s21 =	sadd.s32 $0x100, s21;
	v8 =	vld [tilespmem:s24+$0xFFFFFFC0];
	p0 =	slt.u32 s22, $0x44;
	v3 =	vadd.f32 v3, v3;
	[tilespmem:s20+$0x70] =	vst v7  }
0xd0: {  	v7 =	vld [tilespmem:s21+$0xFFFFFFD0];
	v4 =	vadd.f32 v4, v0  }
0xd1: {  	v10 =	vld [tilespmem:s24+$0x0];
	v1 =	vadd.f32 v5, v1;
	v0 =	vmov v3  }
0xd2: {  	v3 =	vld [tilespmem:s24+$0xFFFFFF80];
	v2 =	vadd.f32 v6, v2;
	[tilespmem:s18+$0x30] =	vst v4;
	s18 =	smov.u32 s20;
	s20 =	smov.u32 s24  }
0xd3: {  	v4 =	vld [tilespmem:s21+$0xFFFFFF10];
	v5 =	vadd.f32 v9, v9;
	[tilespmem:s18+$0xFFFFFFB0] =	vst v1  }
0xd4: {  	v1 =	vld [tilespmem:s21+$0xFFFFFF50];
	v6 =	vadd.f32 v8, v8;
	[tilespmem:s18+$0xFFFFFFF0] =	vst v2  }
0xd5: {  	v2 =	vld [tilespmem:s21+$0xFFFFFF90];
	v5 =	vadd.f32 v7, v5  }
0xd6: {  	v7 =	vadd.f32 v10, v10;
	v8 =	vld [tilespmem:s24+$0x50]  }
0xd7: {  	v3 =	vadd.f32 v3, v3;
	v9 =	vld [tilespmem:s24+$0xFFFFFF90];
	[tilespmem:s24+$0x40] =	vst v5  }
0xd8: {  	v5 =	vld [tilespmem:s21+$0xFFFFFFE0]  }
0xd9: {  	v3 =	vadd.f32 v4, v3;
	v1 =	vadd.f32 v1, v6;
	v4 =	vld [tilespmem:s24+$0xFFFFFFD0]  }
0xda: {  	v2 =	vadd.f32 v2, v7;
	v6 =	vld [tilespmem:s24+$0x10]  }
0xdb: {  	[tilespmem:s24+$0xFFFFFF80] =	vst v3;
	v3 =	vld [tilespmem:s24+$0xFFFFFFA0];
	v7 =	vadd.f32 v8, v8  }
0xdc: {  	v8 =	vld [tilespmem:s21+$0xFFFFFF20];
	v9 =	vadd.f32 v9, v9;
	[tilespmem:s24+$0xFFFFFFC0] =	vst v1  }
0xdd: {  	v1 =	vld [tilespmem:s21+$0xFFFFFF60];
	[tilespmem:s24+$0x0] =	vst v2;
	v2 =	vadd.f32 v5, v7  }
0xde: {  	v4 =	vadd.f32 v4, v4;
	v5 =	vld [tilespmem:s24+$0x60]  }
0xdf: {  	v7 =	vld [tilespmem:s21+$0xFFFFFFA0];
	v6 =	vadd.f32 v6, v6;
	[tilespmem:s24+$0x50] =	vst v2  }
0xe0: {  	v2 =	vadd.f32 v3, v3;
	v3 =	vld [tilespmem:s21+$0xFFFFFFF0]  }
0xe1: {  	v8 =	vadd.f32 v8, v9;
	v9 =	vld [tilespmem:s24+$0xFFFFFFE0]  }
0xe2: {  	v1 =	vadd.f32 v1, v4;
	v4 =	vld [tilespmem:s24+$0x20]  }
0xe3: {  	[tilespmem:s24+$0xFFFFFF90] =	vst v8;
	v8 =	vld [tilespmem:s24+$0xFFFFFFB0];
	v5 =	vadd.f32 v5, v5  }
0xe4: {  	v10 =	vld [tilespmem:s21+$0xFFFFFF30];
	[tilespmem:s24+$0xFFFFFFD0] =	vst v1;
	v1 =	vadd.f32 v7, v6  }
0xe5: {  	v6 =	vld [tilespmem:s21+$0xFFFFFF70];
	v3 =	vadd.f32 v3, v5  }
0xe6: {  	v5 =	vadd.f32 v9, v9;
	[tilespmem:s24+$0x10] =	vst v1;
	v7 =	vld [tilespmem:s24+$0x70]  }
0xe7: {  	v9 =	vld [tilespmem:s21+$0xFFFFFFB0];
	v11 =	vadd.f32 v4, v4;
	[tilespmem:s24+$0x60] =	vst v3  }
0xe8: {  	v1 =	vadd.f32 v8, v8;
	v12 =	vld [tilespmem:s21+$0x0]  }
.Ltmp1:
0xe9: {  	v4 =	vadd.f32 v10, v2;
	v2 =	vld [tilespmem:s24+$0xFFFFFFF0];
	(pc) =	sbr.rel @p0 .LBB2_5-.Ltmp1, $4  }
0xea: {  	v6 =	vadd.f32 v6, v5;
	v3 =	vld [tilespmem:s24+$0x30]  }
0xeb: {  	[tilespmem:s24+$0xFFFFFFA0] =	vst v4;
	v7 =	vadd.f32 v7, v7;
	v4 =	vld [tilespmem:s23+$0xFFFFFFC0];
	s23 =	smov.u32 s21  }
0xec: {  	v5 =	vld [tilespmem:s21+$0xFFFFFF40];
	[tilespmem:s24+$0xFFFFFFE0] =	vst v6;
	v8 =	vadd.f32 v9, v11  }
0xed: {  	s24 =	sadd.s32 $0x100, s24;
	v6 =	vld [tilespmem:s21+$0xFFFFFF80];
	v7 =	vadd.f32 v12, v7  }
0xee: {  	[tilespmem:s20+$0x20] =	vst v8  }
0xef: {  	v8 =	vld [tilespmem:s23+$0xFFFFFFC0];
	_ =	sdelay $0x1  }
0xf0: {  	v2 =	vadd.f32 v2, v2;
	v0 =	vadd.f32 v4, v0  }
0xf1: {  	v3 =	vadd.f32 v3, v3;
	[tilespmem:s20+$0x70] =	vst v7;
	v1 =	vadd.f32 v5, v1  }
0xf2: {  	v2 =	vadd.f32 v6, v2;
	[tilespmem:s18+$0x30] =	vst v0  }
0xf3: {  	s17 =	sadd.s32 $0x1, s17;
	[tilespmem:s20+$0xFFFFFFB0] =	vst v1;
	v63 =	vadd.f32 v8, v3  }
0xf4: {  	p0 =	sne.s32 s17, $0x20;
	[tilespmem:s20+$0xFFFFFFF0] =	vst v2  }
.Ltmp2:
0xf5: {  	s31 =	sadd.s32 $0x400, s19;
	[tilespmem:s20+$0x30] =	vst v63;
	(pc) =	sbr.rel @p0 .LBB2_2-.Ltmp2, $4  }
0xf6: {  	[hbm4b:s31+s2] =	stream.linear.scatter [tilespmem:s15], [sflag:$0x2], $0x1200, $0x38;
	[tilespmem:$0x64C8] =	vst v63  }
0xf7: {  	_ =	swait.ge [sflag:s9], $0x1200  }
0xf8: {  	[sflag:s9] =	ssyncset.done $0x0  }
0xf9: {  	[sflag:s9] =	ssyncadd.s32 $0xFFFFEE00  }
0xfa: {  	s16 =	sadd.s32 $0x1, s16  }
0xfb: {  	p0 =	sne.s32 s16, s8  }
.Ltmp3:
0xfc: {  	_ = 	snop;
	(pc) =	sbr.rel @p0 .LBB2_1-.Ltmp3, $1  }
0xfd: {  	_ =	sdelay $0x3  }
0xfe: {  	_ =	sfence.sel $0x180000  }
0xff: {  	[bflag:$0x0] =	sbarrier.arrive $0xFFFF  }
0x100: {  	p0 =	sne.s32 s3, $0x0;
	_ =	strace $0x90000047  }
0x101: {  	s0 =	sadd.s32 @!p0 $0x100000, s0;
	[bflag:$0x2] =	sbarrier.arrive $0xFFFF  }
0x102: {  	[sflag:s0] =	ssyncadd.tile.s32 @!p0 $0x1;
	_ =	shalt  }
.Lfunc_end2:
_tile_overlayer_lowered:
.L_overlay_start_2:
0x103: {  	(tag) =	ssettag $0x2  }
0x104: {  	s0 =	rddreg [dreg:$0x0];
	s2 =	stileid.u32  }
0x105: {  	s1 =	rddreg [dreg:$0x1];
	p0 =	sne.s32 s2, $0x0  }
0x106: {  	s3 =	rddreg [dreg:$0x2];
	[bflag:$0x3] =	sbarrier.arrive $0xFFFF;
	s2 =	simm.s32 @!p0 $0x1C02  }
0x107: {  	[timem:s3], [sflag:s2] =	dma.local @!p0 [hbm:s0], s1  }
0x108: {  	s0 =	simm.s32 @!p0 $0x2  }
0x109: {  	_ =	swait.ge @!p0 [sflag:s0], s1  }
0x10a: {  	s1 =	ssub.s32 @!p0 $0x0, s1;
	[sflag:s0] =	ssyncset.done @!p0 $0x0  }
0x10b: {  	[sflag:s0] =	ssyncadd.s32 @!p0 s1  }
0x10c: {  	[bflag:$0x3] =	sbarrier.arrive $0xFFFF  }
0x10d: {  	_ =	shalt  }

// kernel: sparse-core-data-format-call.cloned.1.call-start
scs
called_computation_lowered:
.L_overlay_start_0:
0x0: {  	s2 =	sld [smem:$0x3FD9]  }
0x1: {  	s3 =	sld [smem:$0x3FFE];
	_ =	sdelay $0x1  }
0x2: {  	s1 =	srdreg.scid  }
0x3: {  	s0 =	sand.u32 $0x1, s1  }
0x4: {  	s18 =	sshll.u32 s0, $0xA;
	s2 =	sadd.s32 s3, s2  }
0x5: {  	s2 =	sadd.s32 s2, s18  }
0x6: {  	[smem:$0x3FC5] =	sst s2  }
0x7: {  	_ = 	snop  }
0x8: {  	s2 =	sld [smem:$0x3FD0];
	(tm) =	ssettm $0x1  }
0x9: {  	s19 =	sld [smem:$0x3FFB];
	_ =	sdelay $0x3  }
0xa: {  	_ =	strace s19  }
0xb: {  	s3 =	sld [smem:$0x3FFC];
	_ =	sdelay $0x3  }
0xc: {  	_ =	strace s3  }
0xd: {  	s3 =	sld [smem:$0x3FFD];
	_ =	sdelay $0x3  }
0xe: {  	_ =	strace s3  }
0xf: {  	_ =	strace $0x8FFFFFFF  }
0x10: {  	s20 =	sld [smem:$0x3FDB];
	_ =	sdelay $0x1  }
0x11: {  	s4 =	simm.s32 $_scs_section_size  }
0x12: {  	s5 =	simm.s32 $_size__tile_overlayer_lowered;
	s6 =	simm.s32 $_tile_overlayer_lowered  }
0x13: {  	s23 =	simm.s32 $0x1BFF;
	s22 =	sshll.u32 s6, $0x1;
	s3 =	sadd.s32 s4, s20  }
0x14: {  	s7 =	simm.s32 $0x0;
	s21 =	sshll.u32 s5, $0x1;
	s5 =	sadd.s32 s22, s3  }
0x15: {  	[timem:s7], [sflag:s23] =	dma.local [hbm:s5], s21  }
0x16: {  	_ =	swait.ge [sflag:s23], s21  }
0x17: {  	s4 =	ssub.s32 $0x0, s21;
	[sflag:s23] =	ssyncset.done $0x0  }
0x18: {  	[sflag:s23] =	ssyncadd.s32 s4;
	_ =	sdelay $0x1  }
0x19: {  	s24 =	simm.s32 $0x1B8B  }
0x1a: {  	_ =	swait.ge [sflag:s24], $0x1  }
0x1b: {  	[sflag:s24] =	ssyncset.done $0x0  }
0x1c: {  	s26 =	simm.s32 $0x1B8E;
	s25 =	sld [smem:$0x3FFE];
	[sflag:s24] =	ssyncadd.s32 $0xFFFFFFFF  }
0x1d: {  	s27 =	simm.s32 $execute0_lowered;
	[smem:$0x3FD2] =	sst s26  }
0x1e: {  	s5 =	sshll.u32 s27, $0x1;
	_ =	strace $0x80000049;
	[dreg:$0x1] =	wrdreg $0xFFFFFFFF  }
0x1f: {  	s28 =	simm.s32 $_size_execute0_lowered;
	s3 =	sadd.s32 s3, s5;
	[dreg:$0x0] =	wrdreg $0x0  }
0x20: {  	s5 =	sshll.u32 s28, $0x1;
	[dreg:$0x2] =	wrdreg s3  }
0x21: {  	[dreg:$0x3] =	wrdreg s5  }
0x22: {  	[dreg:$0x4] =	wrdreg $0xC0  }
0x23: {  	_ =	task [dreg:s7], $0x5FFFF  }
0x24: {  	[dreg:$0x1] =	wrdreg $0xFFFFFFFF  }
0x25: {  	[dreg:$0x0] =	wrdreg $0x60  }
0x26: {  	[dreg:$0x2] =	wrdreg s25  }
0x27: {  	[dreg:$0x3] =	wrdreg s2  }
0x28: {  	[dreg:$0x4] =	wrdreg $0x9  }
0x29: {  	_ =	task.clear_ibuf [dreg:s7], $0x5FFFF;
	_ =	strace $0x90000049  }
0x2a: {  	s29 =	simm.s32 $0x9;
	_ =	strace $0x8000004B  }
0x2b: {  	_ =	swait.ge [sflag:s29], $0x1  }
0x2c: {  	[sflag:s29] =	ssyncadd.s32 $0xFFFFFFFF  }
0x2d: {  	_ =	strace $0x9000004B  }
0x2e: {  	_ =	sfence  }
0x2f: {  	s30 =	sld [smem:$0x0];
	_ =	sdelay $0x2  }
0x30: {  	s31 =	sshll.u32 s1, $0xD;
	s1 =	sshrl.u32 s1, $0x2  }
0x31: {  	s3 =	sand.u32 $0x4000, s31;
	s1 =	sadd.s32 s1, s30  }
0x32: {  	s0 =	sor.u32 s3, s0;
	s1 =	sshll.u32 s1, $0x11  }
0x33: {  	s0 =	sor.u32 s1, s0  }
0x34: {  	s0 =	sadd.s32 $0x8F2B, s0  }
0x35: {  	[sflag:s0] =	ssyncadd.remote.s32 $0x1  }
0x36: {  	_ =	sfence.sel $0xFFFF  }
0x37: {  	[dreg:$0x0] =	wrdreg $0xFFFFFFFF;
	(pc) =	sbr.abs _section_cstart, $3  }
0x38: {  	[dreg:$0x1] =	wrdreg $0xFFFFFFFF  }
0x39: {  	_ =	task.clear_ibuf [dreg:s7], $0x2FFFF;
	_ =	strace $0x9FFFFFFF  }
0x3a: {  	(tm) =	ssettm $0x7FFFFFFF  }
0x3b: {  	_ =	shalt  }
tec
execute0_lowered:
.L_overlay_start_1:
0x0: {  	(tag) =	ssettag $0x1  }
0x1: {  	s0 =	stileid.u32;
	s6 =	rddreg [dreg:$0x0]  }
0x2: {  	s2 =	rddreg [dreg:$0x1];
	s5 =	srdreg.scid  }
0x3: {  	s31 =	simm.s32 $0x2;
	s13 =	simm.s32 $0x0;
	s1 =	sshll.u32 s0, $0x7  }
0x4: {  	s14 =	simm.s32 $0x0;
	s12 =	simm.s32 $0x0;
	s3 =	sand.u32 $0x380, s1  }
0x5: {  	s5 =	sshll.u32 s5, $0x4;
	s6 =	sadd.s32 $0xC00, s6;
	s4 =	ssub.s32 $0x400, s3  }
0x6: {  	s1 =	rddreg [dreg:$0x2];
	_ =	strace $0x8000004A;
	s7 =	sand.u32 $0x380, s4  }
0x7: {  	s5 =	sand.u32 $0x10, s5;
	p0 =	sne.s32 s7, $0x0;
	s7 =	simm.s32 $0x1  }
.Ltmp0:
0x8: {  	s8 =	sshrl.u32 s4, $0xA;
	s7 =	simm.s32 @!p0 $0x0;
	(pc) =	sbr.rel .LBB1_1-.Ltmp0, $4  }
0x9: {  	s9 =	sor.u32 s0, s5;
	s4 =	simm.s32 $0x1;
	s30 =	sadd.s32 s7, s8  }
0xa: {  	s11 =	smov.u32 s3;
	[sflag:s4] =	ssyncpa.u1 $0x0;
	s5 =	smul.u32 $0x32, s30  }
0xb: {  	[sflag:s31] =	ssyncpa.u1 $0x0;
	p0 =	por $0x0, $0x0;
	s7 =	sshrl.u32 s9, $0x3  }
0xc: {  	s9 =	simm.s32 $0x2000;
	s10 =	smov.u32 s7;
	s8 =	sor.u32 $0x1, s5  }
.LBB1_4:
0xd: {  	s17 =	sand.u32 $0x1F80, s14;
	s13 =	sshll.u32 s13, $0xD  }
0xe: {  	[tilespmem:s16+$0x810 ss:$0x81] =	vst.msk $0xffff, v2;
	s18 =	sshrl.u32 s14, $0x3;
	s31 =	sand.u32 $0x7, s14;
	s17 =	sadd.s32 s2, s17  }
0xf: {  	[tilespmem:s16+$0x1020 ss:$0x81] =	vst.msk $0xffff, v0;
	s18 =	sand.u32 $0xF, s18;
	s14 =	sshll.u32 s31, $0x12;
	s13 =	sadd.s32 s13, s17  }
0x10: {  	[tilespmem:s16+$0x0 ss:$0x81] =	vst.msk $0xffff, v1;
	s14 =	sor.u32 $0x400, s14;
	s13 =	sadd.s32 s18, s13  }
0x11: {  	[hbm4b:s13+s14] =	stream.strided.scatter [tilespmem:s15], [sflag:$0x2], $0x2000, s9, s14, $0x20;
	[tilespmem:$0x8080] =	vst v63  }
.LBB1_5:
0x12: {  	s15 =	sadd.s32 $0x4, s10  }
0x13: {  	s13 =	sadd.s32 $0x400, s11;
	s17 =	smov.u32 s11;
	p2 =	sgt.s32 s15, $0xC7  }
0x14: {  	s17 =	smov.u32 @p2 s13  }
0x15: {  	s15 =	smov.u32 @p2 s7;
	p2 =	sgt.s32 s17, $0x3FF  }
0x16: {  	s17 =	smov.u32 @p2 s3;
	p2 =	sne.s32 s12, s8  }
.Ltmp1:
0x17: {  	p1 =	slt.u32 s12, $0x2;
	(pc) =	sbr.rel @!p2 .LBB1_6-.Ltmp1, $4  }
0x18: {  	s16 =	simm.s32 @!p1 $0x2  }
0x19: {  	s14 =	smov.u32 s11;
	p0 =	por !p0, !p0;
	_ =	swait.ge @!p1 [sflag:s16], $0x2000  }
0x1a: {  	s13 =	smov.u32 s10;
	[sflag:s16] =	ssyncset.done @!p1 $0x0;
	s10 =	smov.u32 s15  }
0x1b: {  	s12 =	sadd.s32 $0x1, s12;
	[sflag:s16] =	ssyncadd.s32 @!p1 $0xFFFFE000;
	s11 =	smov.u32 s17  }
.LBB1_1:
0x1c: {  	p1 =	sge.u32 s12, s5  }
0x1d: {  	s15 =	sand.u32 @!p1 $0x1FFFFFF, s10  }
0x1e: {  	s16 =	smulhi.u32 @!p1 $0x147AE15, s15;
	_ =	sdelay $0x1  }
0x1f: {  	s16 =	smul.u32 @!p1 $0xC8, s16  }
0x20: {  	s17 =	sxor.u32 @!p1 $0xFFFFFFFF, s12;
	s18 =	smul.u32 @!p1 $0xC80, s11  }
0x21: {  	s31 =	sadd.s32 $0xFFFFFFFF, s12;
	s17 =	sshll.u32 @!p1 s17, $0xD;
	s15 =	ssub.s32 @!p1 s15, s16  }
0x22: {  	s16 =	sand.u32 @!p1 $0x2000, s17;
	s17 =	sadd.s32 @!p1 s6, s18;
	s15 =	sshll.u32 @!p1 s15, $0x4  }
0x23: {  	s18 =	simm.s32 @!p1 $0x6400;
	s15 =	sadd.s32 @!p1 s15, s17;
	s17 =	simm.s32 @!p1 $0x40  }
0x24: {  	[tilespmem:s16], [sflag:$0x1] =	stream.strided.gather @!p1 [hbm4b:s15+s17], $0x2000, s18, s17, $0x38;
	[tilespmem:$0x8080] =	vst v63  }
0x25: {  	p1 =	sge.u32 s31, s5  }
.Ltmp2:
0x26: {  	_ = 	snop;
	(pc) =	sbr.rel @p1 .LBB1_5-.Ltmp2, $1  }
0x27: {  	_ =	sdelay $0x3  }
0x28: {  	s15 =	simm.s32 $0x1  }
0x29: {  	_ =	swait.ge [sflag:s4], $0x2000;
	s15 =	simm.s32 @!p0 $0x0  }
0x2a: {  	[sflag:s4] =	ssyncset.done $0x0;
	s16 =	sshll.u32 s15, $0xD  }
0x2b: {  	[sflag:s4] =	ssyncadd.s32 $0xFFFFE000;
	s19 =	sor.u32 $0x20, s16  }
0x2c: {  	s15 =	smul.u32 $0x8100, s15;
	v3 =	vld [tilespmem:s19+$0x10]  }
0x2d: {  	s30 =	sand.u32 $0x1, s12;
	v2 =	vld [tilespmem:s19+$0xFFFFFFF0]  }
0x2e: {  	s16 =	smul.u32 $0x8100, s30;
	s15 =	sshrl.u32 s15, $0x2;
	v0 =	vld [tilespmem:s19+$0x0]  }
0x2f: {  	v1 =	vld [tilespmem:s19+$0xFFFFFFE0];
	s17 =	sor.u32 $0x4000, s15  }
0x30: {  	s31 =	sshrl.u32 s16, $0x2;
	s16 =	sadd.s32 $0x0, s17  }
0x31: {  	s18 =	simm.s32 $0x4;
	s19 =	sadd.s32 $0x40, s19;
	s15 =	sor.u32 $0x4000, s31;
	[tilespmem:s16+$0x1830 ss:$0x81] =	vst.msk $0xffff, v3  }
.LBB1_3:
0x32: {  	v3 =	vld [tilespmem:s19+$0x10];
	p1 =	sne.s32 s18, $0x1FC;
	[tilespmem:s16+$0x810 ss:$0x81] =	vst.msk $0xffff, v2;
	s20 =	smov.u32 s18;
	s18 =	sadd.s32 $0x4, s18  }
.Ltmp3:
0x33: {  	v2 =	vld [tilespmem:s19+$0xFFFFFFF0];
	[tilespmem:s16+$0x1020 ss:$0x81] =	vst.msk $0xffff, v0;
	(pc) =	sbr.rel @p1 .LBB1_3-.Ltmp3, $4  }
0x34: {  	v0 =	vld [tilespmem:s19+$0x0];
	[tilespmem:s16+$0x0 ss:$0x81] =	vst.msk $0xffff, v1  }
0x35: {  	s16 =	sshra.s32 s20, $0x2;
	v1 =	vld [tilespmem:s19+$0xFFFFFFE0]  }
0x36: {  	s16 =	sadd.s32 s16, s17  }
0x37: {  	s19 =	sadd.s32 $0x40, s19;
	[tilespmem:s16+$0x1830 ss:$0x81] =	vst.msk $0xffff, v3  }
.Ltmp4:
0x38: {  	_ = 	snop;
	(pc) =	sbr.rel .LBB1_4-.Ltmp4, $1  }
0x39: {  	_ =	sdelay $0x3  }
.LBB1_6:
0x3a: {  	_ =	sfence.sel $0x180000  }
0x3b: {  	s2 =	simm.s32 $0x1;
	[bflag:$0x0] =	sbarrier.arrive $0xFFFF  }
0x3c: {  	s31 =	simm.s32 $0x2;
	[sflag:s2] =	ssyncpa.u1 $0x1  }
0x3d: {  	[sflag:s31] =	ssyncpa.u1 $0x1  }
0x3e: {  	p0 =	sne.s32 s0, $0x0;
	_ =	strace $0x9000004A  }
0x3f: {  	s0 =	sadd.s32 @!p0 $0x100000, s1;
	[bflag:$0x2] =	sbarrier.arrive $0xFFFF  }
0x40: {  	[sflag:s0] =	ssyncadd.tile.s32 @!p0 $0x1;
	_ =	shalt  }
.Lfunc_end1:
_tile_overlayer_lowered:
.L_overlay_start_2:
0x41: {  	(tag) =	ssettag $0x2  }
0x42: {  	s0 =	rddreg [dreg:$0x0];
	s2 =	stileid.u32  }
0x43: {  	s1 =	rddreg [dreg:$0x1];
	p0 =	sne.s32 s2, $0x0  }
0x44: {  	s3 =	rddreg [dreg:$0x2];
	[bflag:$0x3] =	sbarrier.arrive $0xFFFF;
	s2 =	simm.s32 @!p0 $0x1C01  }
0x45: {  	[timem:s3], [sflag:s2] =	dma.local @!p0 [hbm:s0], s1  }
0x46: {  	s0 =	simm.s32 @!p0 $0x1  }
0x47: {  	_ =	swait.ge @!p0 [sflag:s0], s1  }
0x48: {  	s1 =	ssub.s32 @!p0 $0x0, s1;
	[sflag:s0] =	ssyncset.done @!p0 $0x0  }
0x49: {  	[sflag:s0] =	ssyncadd.s32 @!p0 s1  }
0x4a: {  	[bflag:$0x3] =	sbarrier.arrive $0xFFFF  }
0x4b: {  	_ =	shalt  }

</sc_bundles>
